<compile_context>
chip_gen: v7x
topology: tpu7x:2x2x1
jax: 0.10.2.dev20260603
libtpu: 0.0.44.dev20260713+nightly
codegen_flags: <defaults>
</compile_context>

<pallas_src>
import functools
import numpy as np
import jax
import jax.numpy as jnp
from jax.experimental import pallas as pl
from jax.experimental.pallas import tpu as pltpu
from jax.experimental.pallas import tpu_sc as plsc

_D = 384
_K = 8
_SIGMA = _D ** 0.5
_EPS = 1e-6


def _filter_matrix():
    pos = np.arange(-_D // 2 + 1, _D // 2 + 1, dtype=np.float64)
    g = np.exp(-0.5 * (pos / _SIGMA) ** 2)
    g = g / g.max()
    w = np.fft.ifftshift(g)
    eye = np.eye(_D, dtype=np.float64)
    m = np.fft.ifft(np.fft.fft(eye, axis=-1) * w, axis=-1).real
    return jnp.asarray(m - eye, dtype=jnp.float32)


def _body(x_ref, xp_ref, m_ref, pooled_ref, sel_ref, sbuf):
    i = pl.program_id(0)
    n = x_ref.shape[1]
    d = x_ref.shape[2]
    slot = jax.lax.rem(i, 2)
    pslot = jax.lax.rem(i + 1, 2)

    scores = sbuf[pslot]
    xp = xp_ref[0]

    x = x_ref[0]
    resid = jax.lax.dot(
        x, m_ref[...],
        precision=jax.lax.Precision.HIGHEST,
        preferred_element_type=jnp.float32,
    )
    sbuf[slot] = x / jnp.maximum(jnp.abs(resid), _EPS)

    iota = jax.lax.broadcasted_iota(jnp.int32, (n, d), 0)
    neg = jnp.float32(-jnp.inf)
    idx = None
    half = n // 2
    for k in range(_K):
        if k > 0:
            scores = jnp.where(iota == idx, neg, scores)
        s = scores
        h = half
        while h >= 8:
            s = jnp.maximum(s[:h], s[h:])
            h //= 2
        m = jnp.max(s, axis=0, keepdims=True)
        c = jnp.minimum(
            jnp.where(scores[:half] == m, iota[:half], n),
            jnp.where(scores[half:] == m, iota[half:], n),
        )
        h = half // 2
        while h >= 8:
            c = jnp.minimum(c[:h], c[h:])
            h //= 2
        idx = jnp.min(c, axis=0, keepdims=True)
        sel_ref[0, k, :] = idx[0]
    chosen = (scores == neg) | (iota == idx)
    pooled_ref[0, 0, :] = jnp.sum(jnp.where(chosen, xp, 0.0), axis=0) * (1.0 / _K)


def _make_sc_votes(b, n, kd):
    info = plsc.get_sparse_core_info()
    nw = info.num_cores * info.num_subcores
    per_w = b // nw
    lanes = info.num_lanes

    @functools.partial(
        pl.kernel,
        mesh=plsc.VectorSubcoreMesh(core_axis_name="c", subcore_axis_name="s"),
        out_type=jax.ShapeDtypeStruct((b, n), jnp.int32),
        scratch_types=[
            pltpu.VMEM((kd,), jnp.int32),
            pltpu.VMEM((n,), jnp.int32),
        ],
        compiler_params=pltpu.CompilerParams(needs_layout_passes=False),
    )
    def sc_votes(sel_hbm, out_hbm, idx_v, votes_v):
        wid = jax.lax.axis_index("s") * info.num_cores + jax.lax.axis_index("c")
        ones = jnp.ones((lanes,), jnp.int32)
        zeros = jnp.zeros((lanes,), jnp.int32)
        for t in range(per_w):
            row = wid * per_w + t
            pltpu.sync_copy(sel_hbm.at[row], idx_v)

            def zero_body(j, carry):
                votes_v[pl.ds(j * lanes, lanes)] = zeros
                return carry

            jax.lax.fori_loop(0, n // lanes, zero_body, 0)

            def scat_body(j, carry):
                iv = idx_v[pl.ds(j * lanes, lanes)]
                plsc.addupdate_scatter(votes_v, [iv], ones)
                return carry

            jax.lax.fori_loop(0, kd // lanes, scat_body, 0)
            pltpu.sync_copy(votes_v, out_hbm.at[row])

    return sc_votes


def kernel(patch_tokens):
    b, n, d = patch_tokens.shape
    m = _filter_matrix()
    pooled, sel = pl.pallas_call(
        _body,
        grid=(b + 1,),
        in_specs=[
            pl.BlockSpec((1, n, d), lambda i: (jnp.minimum(i, b - 1), 0, 0)),
            pl.BlockSpec((1, n, d), lambda i: (jnp.maximum(i - 1, 0), 0, 0)),
            pl.BlockSpec((d, d), lambda i: (0, 0)),
        ],
        out_specs=[
            pl.BlockSpec((1, 1, d), lambda i: (jnp.maximum(i - 1, 0), 0, 0)),
            pl.BlockSpec((1, _K, d), lambda i: (jnp.maximum(i - 1, 0), 0, 0)),
        ],
        out_shape=[
            jax.ShapeDtypeStruct((b, 1, d), jnp.float32),
            jax.ShapeDtypeStruct((b, _K, d), jnp.int32),
        ],
        scratch_shapes=[
            pltpu.VMEM((2, n, d), jnp.float32),
        ],
        compiler_params=pltpu.CompilerParams(
            dimension_semantics=("arbitrary",),
        ),
    )(patch_tokens, patch_tokens, m)
    votes = _make_sc_votes(b, n, _K * d)(sel.reshape(b, _K * d))
    return pooled.reshape(b, d), votes, sel

# --- scband reference (transcript-rebuilt; emitter-appended) ---
"""Pipeline reference for scband-lastaggregator-70214125355180 (READ-ONLY COPY).

The authoritative reference and input builder live on the scoring server;
editing this copy changes nothing except your own understanding.
"""

import jax, jax.numpy as jnp
import numpy as np

HIDDEN_DIM = 384
TOPK = 8
SIGMA = HIDDEN_DIM ** 0.5
EPS = 1e-06


def setup_inputs(seed: int = 0) -> dict:
    key = jax.random.key(seed)
    patch_tokens = jax.random.normal(key, (64, 1024, HIDDEN_DIM), dtype=jnp.float32)
    return {"patch_tokens": patch_tokens}


def _low_pass_filter(x):
    positions = jnp.arange(-HIDDEN_DIM // 2 + 1, HIDDEN_DIM // 2 + 1, dtype=x.dtype)
    kernel = jnp.exp(-0.5 * (positions / SIGMA) ** 2)
    kernel = kernel / kernel.max()
    spectrum = jnp.fft.fft(x, axis=-1)
    spectrum = jnp.fft.fftshift(spectrum, axes=-1)
    spectrum = spectrum * kernel
    spectrum = jnp.fft.ifftshift(spectrum, axes=-1)
    return jnp.fft.ifft(spectrum, axis=-1).real


def reference(patch_tokens):
    B, num_patches, D = patch_tokens.shape
    low = _low_pass_filter(patch_tokens)
    # score_formula == 'repo'
    stability_scores = patch_tokens / jnp.maximum(jnp.abs(low - patch_tokens), EPS)
    k = min(TOPK, num_patches)
    # torch.topk(scores, k, dim=1) -> per-channel topk over patches
    scores_t = jnp.swapaxes(stability_scores, 1, 2)  # [B, D, N]
    _, idx_t = jax.lax.top_k(scores_t, k)            # [B, D, k]
    selected_indices = jnp.swapaxes(idx_t, 1, 2)     # [B, k, D]
    selected_tokens = jnp.take_along_axis(patch_tokens, selected_indices, axis=1)
    pooled = selected_tokens.mean(axis=1)            # [B, D]
    # vote counts via scatter-add
    flat_indices = jnp.swapaxes(selected_indices, 1, 2).reshape(B, D * k)
    votes = jnp.zeros((B, num_patches), dtype=jnp.int32)
    votes = votes.at[jnp.arange(B)[:, None], flat_indices].add(1)
    return pooled, votes, selected_indices

if __name__ == "__main__":
    import jax
    _d = setup_inputs()
    print(jax.jit(kernel)(*tuple(_d.values())))

</pallas_src>

<mosaic_0001>
#map = affine_map<(d0, d1) -> (0, 0)>
module attributes {stable_mosaic.version = 14 : i64} {
  func.func @sc_votes(%arg0: i32, %arg1: i32, %arg2: memref<64x3072xi32, #tpu.memory_space<hbm>>, %arg3: memref<64x1024xi32, #tpu.memory_space<hbm>>, %arg4: memref<3072xi32, #tpu.memory_space<vmem>>, %arg5: memref<1024xi32, #tpu.memory_space<vmem>>) attributes {dimension_semantics = [#tpu.dimension_semantics<core_parallel>, #tpu.dimension_semantics<subcore_parallel>], iteration_bounds = array<i64: 2, 16>, scalar_prefetch = 0 : i64, scratch_operands = 2 : i64, tpu.core_type = #tpu.core_type<sc_vector_subcore>, window_params = [{transform_indices = #map}, {transform_indices = #map}]} {
    %mul3A = arith.constant 2 : i32
    %mul3A_0 = arith.muli %arg1, %mul3A : i32
    %add3A = arith.addi %mul3A_0, %arg0 : i32
    %broadcast_in_dim3A = arith.constant 1 : i32
    %broadcast_in_dim3A_1 = vector.broadcast %broadcast_in_dim3A : i32 to vector<16xi32>
    %broadcast_in_dim3A_2 = arith.constant 0 : i32
    %broadcast_in_dim3A_3 = vector.broadcast %broadcast_in_dim3A_2 : i32 to vector<16xi32>
    %mul3A_4 = arith.constant 2 : i32
    %mul3A_5 = arith.muli %add3A, %mul3A_4 : i32
    %add3A_6 = arith.constant 0 : i32
    %add3A_7 = arith.addi %mul3A_5, %add3A_6 : i32
    "tpu.region"() ({
      %run_scoped3A = tpu.sem_alloc : memref<!tpu.dma_semaphore, #tpu.memory_space<semaphore_mem>>
      %dma_start3A = arith.constant 0 : i32
      %dma_start3A_35 = tpu.memref_slice %arg2[%add3A_7, %dma_start3A] : memref<64x3072xi32, #tpu.memory_space<hbm>> -> memref<1x3072xi32, #tpu.memory_space<hbm>>
      %dma_start3A_36 = tpu.memref_squeeze %dma_start3A_35 : memref<1x3072xi32, #tpu.memory_space<hbm>> -> memref<3072xi32, #tpu.memory_space<hbm>>
      %dma_start3A_37 = arith.constant 0 : i32
      %dma_start3A_38 = tpu.memref_slice %arg2[%add3A_7, %dma_start3A_37] : memref<64x3072xi32, #tpu.memory_space<hbm>> -> memref<1x3072xi32, #tpu.memory_space<hbm>>
      %dma_start3A_39 = tpu.memref_squeeze %dma_start3A_38 : memref<1x3072xi32, #tpu.memory_space<hbm>> -> memref<3072xi32, #tpu.memory_space<hbm>>
      tpu.enqueue_dma source(%dma_start3A_39 : memref<3072xi32, #tpu.memory_space<hbm>>) target(%arg4 : memref<3072xi32, #tpu.memory_space<vmem>>) target_semaphore(%run_scoped3A : memref<!tpu.dma_semaphore, #tpu.memory_space<semaphore_mem>>)
      %dma_wait3A = arith.constant 0 : i32
      %dma_wait3A_40 = tpu.memref_slice %arg2[%add3A_7, %dma_wait3A] : memref<64x3072xi32, #tpu.memory_space<hbm>> -> memref<1x3072xi32, #tpu.memory_space<hbm>>
      %dma_wait3A_41 = tpu.memref_squeeze %dma_wait3A_40 : memref<1x3072xi32, #tpu.memory_space<hbm>> -> memref<3072xi32, #tpu.memory_space<hbm>>
      %dma_wait3A_42 = arith.constant 0 : i32
      %dma_wait3A_43 = tpu.memref_slice %arg2[%add3A_7, %dma_wait3A_42] : memref<64x3072xi32, #tpu.memory_space<hbm>> -> memref<1x3072xi32, #tpu.memory_space<hbm>>
      %dma_wait3A_44 = tpu.memref_squeeze %dma_wait3A_43 : memref<1x3072xi32, #tpu.memory_space<hbm>> -> memref<3072xi32, #tpu.memory_space<hbm>>
      tpu.wait_dma2 semaphore(%run_scoped3A : memref<!tpu.dma_semaphore, #tpu.memory_space<semaphore_mem>>) src(%dma_wait3A_44 : memref<3072xi32, #tpu.memory_space<hbm>>) dst(%arg4 : memref<3072xi32, #tpu.memory_space<vmem>>)
      tpu.yield
    }) : () -> ()
    %scan3A = arith.constant 0 : i32
    %scan3A_8 = arith.constant 0 : i32
    %scan3A_9 = arith.constant 64 : i32
    %scan3A_10 = arith.addi %scan3A_8, %scan3A_9 : i32
    %scan3A_11 = arith.constant 1 : i32
    scf.for %scan3A_35 = %scan3A_8 to %scan3A_10 step %scan3A_11  : i32 {
      %mul3A_36 = arith.constant 16 : i32
      %mul3A_37 = arith.muli %scan3A_35, %mul3A_36 : i32
      %swap3A = arith.index_cast %mul3A_37 : i32 to index
      %swap3A_38 = tpu.vector_load %arg5[%swap3A] {strides = array<i32>} : memref<1024xi32, #tpu.memory_space<vmem>>, vector<16xi32>,
      tpu.vector_store %arg5[%swap3A], %broadcast_in_dim3A_3 {strides = array<i32>} : memref<1024xi32, #tpu.memory_space<vmem>>, vector<16xi32>,
    }
    %scan3A_12 = arith.constant 64 : i32
    %scan3A_13 = arith.constant 0 : i32
    %scan3A_14 = arith.constant 0 : i32
    %scan3A_15 = arith.constant 192 : i32
    %scan3A_16 = arith.addi %scan3A_14, %scan3A_15 : i32
    %scan3A_17 = arith.constant 1 : i32
    scf.for %scan3A_35 = %scan3A_14 to %scan3A_16 step %scan3A_17  : i32 {
      %mul3A_36 = arith.constant 16 : i32
      %mul3A_37 = arith.muli %scan3A_35, %mul3A_36 : i32
      %get3A = arith.index_cast %mul3A_37 : i32 to index
      %get3A_38 = tpu.vector_load %arg4[%get3A] {strides = array<i32>} : memref<3072xi32, #tpu.memory_space<vmem>>, vector<16xi32>,
      tpu.vector_store_idx %arg5[%get3A_38], %broadcast_in_dim3A_1 {add = true} : memref<1024xi32, #tpu.memory_space<vmem>>[vector<16xi32>], vector<16xi32>,
    }
    %scan3A_18 = arith.constant 192 : i32
    "tpu.region"() ({
      %run_scoped3A = tpu.sem_alloc : memref<!tpu.dma_semaphore, #tpu.memory_space<semaphore_mem>>
      %dma_start3A = arith.constant 0 : i32
      %dma_start3A_35 = tpu.memref_slice %arg3[%add3A_7, %dma_start3A] : memref<64x1024xi32, #tpu.memory_space<hbm>> -> memref<1x1024xi32, #tpu.memory_space<hbm>>
      %dma_start3A_36 = tpu.memref_squeeze %dma_start3A_35 : memref<1x1024xi32, #tpu.memory_space<hbm>> -> memref<1024xi32, #tpu.memory_space<hbm>>
      %dma_start3A_37 = arith.constant 0 : i32
      %dma_start3A_38 = tpu.memref_slice %arg3[%add3A_7, %dma_start3A_37] : memref<64x1024xi32, #tpu.memory_space<hbm>> -> memref<1x1024xi32, #tpu.memory_space<hbm>>
      %dma_start3A_39 = tpu.memref_squeeze %dma_start3A_38 : memref<1x1024xi32, #tpu.memory_space<hbm>> -> memref<1024xi32, #tpu.memory_space<hbm>>
      tpu.enqueue_dma source(%arg5 : memref<1024xi32, #tpu.memory_space<vmem>>) target(%dma_start3A_39 : memref<1024xi32, #tpu.memory_space<hbm>>) target_semaphore(%run_scoped3A : memref<!tpu.dma_semaphore, #tpu.memory_space<semaphore_mem>>)
      %dma_wait3A = arith.constant 0 : i32
      %dma_wait3A_40 = tpu.memref_slice %arg3[%add3A_7, %dma_wait3A] : memref<64x1024xi32, #tpu.memory_space<hbm>> -> memref<1x1024xi32, #tpu.memory_space<hbm>>
      %dma_wait3A_41 = tpu.memref_squeeze %dma_wait3A_40 : memref<1x1024xi32, #tpu.memory_space<hbm>> -> memref<1024xi32, #tpu.memory_space<hbm>>
      %dma_wait3A_42 = arith.constant 0 : i32
      %dma_wait3A_43 = tpu.memref_slice %arg3[%add3A_7, %dma_wait3A_42] : memref<64x1024xi32, #tpu.memory_space<hbm>> -> memref<1x1024xi32, #tpu.memory_space<hbm>>
      %dma_wait3A_44 = tpu.memref_squeeze %dma_wait3A_43 : memref<1x1024xi32, #tpu.memory_space<hbm>> -> memref<1024xi32, #tpu.memory_space<hbm>>
      tpu.wait_dma2 semaphore(%run_scoped3A : memref<!tpu.dma_semaphore, #tpu.memory_space<semaphore_mem>>) src(%arg5 : memref<1024xi32, #tpu.memory_space<vmem>>) dst(%dma_wait3A_44 : memref<1024xi32, #tpu.memory_space<hbm>>)
      tpu.yield
    }) : () -> ()
    %mul3A_19 = arith.constant 2 : i32
    %mul3A_20 = arith.muli %add3A, %mul3A_19 : i32
    %add3A_21 = arith.constant 1 : i32
    %add3A_22 = arith.addi %mul3A_20, %add3A_21 : i32
    "tpu.region"() ({
      %run_scoped3A = tpu.sem_alloc : memref<!tpu.dma_semaphore, #tpu.memory_space<semaphore_mem>>
      %dma_start3A = arith.constant 0 : i32
      %dma_start3A_35 = tpu.memref_slice %arg2[%add3A_22, %dma_start3A] : memref<64x3072xi32, #tpu.memory_space<hbm>> -> memref<1x3072xi32, #tpu.memory_space<hbm>>
      %dma_start3A_36 = tpu.memref_squeeze %dma_start3A_35 : memref<1x3072xi32, #tpu.memory_space<hbm>> -> memref<3072xi32, #tpu.memory_space<hbm>>
      %dma_start3A_37 = arith.constant 0 : i32
      %dma_start3A_38 = tpu.memref_slice %arg2[%add3A_22, %dma_start3A_37] : memref<64x3072xi32, #tpu.memory_space<hbm>> -> memref<1x3072xi32, #tpu.memory_space<hbm>>
      %dma_start3A_39 = tpu.memref_squeeze %dma_start3A_38 : memref<1x3072xi32, #tpu.memory_space<hbm>> -> memref<3072xi32, #tpu.memory_space<hbm>>
      tpu.enqueue_dma source(%dma_start3A_39 : memref<3072xi32, #tpu.memory_space<hbm>>) target(%arg4 : memref<3072xi32, #tpu.memory_space<vmem>>) target_semaphore(%run_scoped3A : memref<!tpu.dma_semaphore, #tpu.memory_space<semaphore_mem>>)
      %dma_wait3A = arith.constant 0 : i32
      %dma_wait3A_40 = tpu.memref_slice %arg2[%add3A_22, %dma_wait3A] : memref<64x3072xi32, #tpu.memory_space<hbm>> -> memref<1x3072xi32, #tpu.memory_space<hbm>>
      %dma_wait3A_41 = tpu.memref_squeeze %dma_wait3A_40 : memref<1x3072xi32, #tpu.memory_space<hbm>> -> memref<3072xi32, #tpu.memory_space<hbm>>
      %dma_wait3A_42 = arith.constant 0 : i32
      %dma_wait3A_43 = tpu.memref_slice %arg2[%add3A_22, %dma_wait3A_42] : memref<64x3072xi32, #tpu.memory_space<hbm>> -> memref<1x3072xi32, #tpu.memory_space<hbm>>
      %dma_wait3A_44 = tpu.memref_squeeze %dma_wait3A_43 : memref<1x3072xi32, #tpu.memory_space<hbm>> -> memref<3072xi32, #tpu.memory_space<hbm>>
      tpu.wait_dma2 semaphore(%run_scoped3A : memref<!tpu.dma_semaphore, #tpu.memory_space<semaphore_mem>>) src(%dma_wait3A_44 : memref<3072xi32, #tpu.memory_space<hbm>>) dst(%arg4 : memref<3072xi32, #tpu.memory_space<vmem>>)
      tpu.yield
    }) : () -> ()
    %scan3A_23 = arith.constant 0 : i32
    %scan3A_24 = arith.constant 0 : i32
    %scan3A_25 = arith.constant 64 : i32
    %scan3A_26 = arith.addi %scan3A_24, %scan3A_25 : i32
    %scan3A_27 = arith.constant 1 : i32
    scf.for %scan3A_35 = %scan3A_24 to %scan3A_26 step %scan3A_27  : i32 {
      %mul3A_36 = arith.constant 16 : i32
      %mul3A_37 = arith.muli %scan3A_35, %mul3A_36 : i32
      %swap3A = arith.index_cast %mul3A_37 : i32 to index
      %swap3A_38 = tpu.vector_load %arg5[%swap3A] {strides = array<i32>} : memref<1024xi32, #tpu.memory_space<vmem>>, vector<16xi32>,
      tpu.vector_store %arg5[%swap3A], %broadcast_in_dim3A_3 {strides = array<i32>} : memref<1024xi32, #tpu.memory_space<vmem>>, vector<16xi32>,
    }
    %scan3A_28 = arith.constant 64 : i32
    %scan3A_29 = arith.constant 0 : i32
    %scan3A_30 = arith.constant 0 : i32
    %scan3A_31 = arith.constant 192 : i32
    %scan3A_32 = arith.addi %scan3A_30, %scan3A_31 : i32
    %scan3A_33 = arith.constant 1 : i32
    scf.for %scan3A_35 = %scan3A_30 to %scan3A_32 step %scan3A_33  : i32 {
      %mul3A_36 = arith.constant 16 : i32
      %mul3A_37 = arith.muli %scan3A_35, %mul3A_36 : i32
      %get3A = arith.index_cast %mul3A_37 : i32 to index
      %get3A_38 = tpu.vector_load %arg4[%get3A] {strides = array<i32>} : memref<3072xi32, #tpu.memory_space<vmem>>, vector<16xi32>,
      tpu.vector_store_idx %arg5[%get3A_38], %broadcast_in_dim3A_1 {add = true} : memref<1024xi32, #tpu.memory_space<vmem>>[vector<16xi32>], vector<16xi32>,
    }
    %scan3A_34 = arith.constant 192 : i32
    "tpu.region"() ({
      %run_scoped3A = tpu.sem_alloc : memref<!tpu.dma_semaphore, #tpu.memory_space<semaphore_mem>>
      %dma_start3A = arith.constant 0 : i32
      %dma_start3A_35 = tpu.memref_slice %arg3[%add3A_22, %dma_start3A] : memref<64x1024xi32, #tpu.memory_space<hbm>> -> memref<1x1024xi32, #tpu.memory_space<hbm>>
      %dma_start3A_36 = tpu.memref_squeeze %dma_start3A_35 : memref<1x1024xi32, #tpu.memory_space<hbm>> -> memref<1024xi32, #tpu.memory_space<hbm>>
      %dma_start3A_37 = arith.constant 0 : i32
      %dma_start3A_38 = tpu.memref_slice %arg3[%add3A_22, %dma_start3A_37] : memref<64x1024xi32, #tpu.memory_space<hbm>> -> memref<1x1024xi32, #tpu.memory_space<hbm>>
      %dma_start3A_39 = tpu.memref_squeeze %dma_start3A_38 : memref<1x1024xi32, #tpu.memory_space<hbm>> -> memref<1024xi32, #tpu.memory_space<hbm>>
      tpu.enqueue_dma source(%arg5 : memref<1024xi32, #tpu.memory_space<vmem>>) target(%dma_start3A_39 : memref<1024xi32, #tpu.memory_space<hbm>>) target_semaphore(%run_scoped3A : memref<!tpu.dma_semaphore, #tpu.memory_space<semaphore_mem>>)
      %dma_wait3A = arith.constant 0 : i32
      %dma_wait3A_40 = tpu.memref_slice %arg3[%add3A_22, %dma_wait3A] : memref<64x1024xi32, #tpu.memory_space<hbm>> -> memref<1x1024xi32, #tpu.memory_space<hbm>>
      %dma_wait3A_41 = tpu.memref_squeeze %dma_wait3A_40 : memref<1x1024xi32, #tpu.memory_space<hbm>> -> memref<1024xi32, #tpu.memory_space<hbm>>
      %dma_wait3A_42 = arith.constant 0 : i32
      %dma_wait3A_43 = tpu.memref_slice %arg3[%add3A_22, %dma_wait3A_42] : memref<64x1024xi32, #tpu.memory_space<hbm>> -> memref<1x1024xi32, #tpu.memory_space<hbm>>
      %dma_wait3A_44 = tpu.memref_squeeze %dma_wait3A_43 : memref<1x1024xi32, #tpu.memory_space<hbm>> -> memref<1024xi32, #tpu.memory_space<hbm>>
      tpu.wait_dma2 semaphore(%run_scoped3A : memref<!tpu.dma_semaphore, #tpu.memory_space<semaphore_mem>>) src(%arg5 : memref<1024xi32, #tpu.memory_space<vmem>>) dst(%dma_wait3A_44 : memref<1024xi32, #tpu.memory_space<hbm>>)
      tpu.yield
    }) : () -> ()
    return
  }
}

module attributes {stable_mosaic.version = 14 : i64} {
  func.func @_body(%arg0: i32, %arg1: memref<1x1024x384xf32, #tpu.memory_space<vmem>>, %arg2: memref<1x1024x384xf32, #tpu.memory_space<vmem>>, %arg3: memref<384x384xf32, #tpu.memory_space<vmem>>, %arg4: memref<1x1x384xf32, #tpu.memory_space<vmem>>, %arg5: memref<1x8x384xi32, #tpu.memory_space<vmem>>, %arg6: memref<2x1024x384xf32, #tpu.memory_space<vmem>>) attributes {dimension_semantics = [#tpu.dimension_semantics<arbitrary>], iteration_bounds = array<i64: 65>, scalar_prefetch = 0 : i64, scratch_operands = 1 : i64, tpu.core_type = #tpu.core_type<tc>, window_params = [{transform_indices = @transform_0, window_bounds = array<i64: 1, 1024, 384>}, {transform_indices = @transform_1, window_bounds = array<i64: 1, 1024, 384>}, {pipeline_mode = #tpu.pipeline_mode<synchronous>, transform_indices = @transform_2, window_bounds = array<i64: 384, 384>}, {transform_indices = @transform_3, window_bounds = array<i64: 1, 1, 384>}, {transform_indices = @transform_4, window_bounds = array<i64: 1, 8, 384>}]} {
    %rem3A = arith.constant 2 : i32
    %rem3A_0 = arith.remsi %arg0, %rem3A : i32
    %add3A = arith.constant 1 : i32
    %add3A_1 = arith.addi %arg0, %add3A : i32
    %rem3A_2 = arith.constant 2 : i32
    %rem3A_3 = arith.remsi %add3A_1, %rem3A_2 : i32
    %get3A = arith.index_cast %rem3A_3 : i32 to index
    %get3A_4 = arith.constant 0 : index
    %get3A_5 = arith.constant 0 : index
    %get3A_6 = vector.load %arg6[%get3A, %get3A_4, %get3A_5] : memref<2x1024x384xf32, #tpu.memory_space<vmem>>, vector<1x1024x384xf32>
    %get3A_7 = vector.shape_cast %get3A_6 : vector<1x1024x384xf32> to vector<1024x384xf32>
    %get3A_8 = arith.constant 0 : index
    %get3A_9 = arith.constant 0 : index
    %get3A_10 = arith.constant 0 : index
    %get3A_11 = vector.load %arg2[%get3A_8, %get3A_9, %get3A_10] : memref<1x1024x384xf32, #tpu.memory_space<vmem>>, vector<1x1024x384xf32>
    %get3A_12 = vector.shape_cast %get3A_11 : vector<1x1024x384xf32> to vector<1024x384xf32>
    %get3A_13 = arith.constant 0 : index
    %get3A_14 = arith.constant 0 : index
    %get3A_15 = arith.constant 0 : index
    %get3A_16 = vector.load %arg1[%get3A_13, %get3A_14, %get3A_15] : memref<1x1024x384xf32, #tpu.memory_space<vmem>>, vector<1x1024x384xf32>
    %get3A_17 = vector.shape_cast %get3A_16 : vector<1x1024x384xf32> to vector<1024x384xf32>
    %get3A_18 = arith.constant 0 : index
    %get3A_19 = arith.constant 0 : index
    %get3A_20 = vector.load %arg3[%get3A_18, %get3A_19] : memref<384x384xf32, #tpu.memory_space<vmem>>, vector<384x384xf32>
    %dot_general3A = arith.constant dense<0.000000e+00> : vector<1024x384xf32>
    %dot_general3A_21 = tpu.matmul %get3A_17, %get3A_20, %dot_general3A {dimension_numbers = #tpu.dot_dimension_numbers<[1], [0], [0], [1], [0, 0, 1, 1], [], []>, precision = #tpu.contract_precision<fp32>, transpose_lhs_hint = false} : vector<1024x384xf32>, vector<384x384xf32>, vector<1024x384xf32> -> vector<1024x384xf32>
    %abs3A = math.absf %dot_general3A_21 : vector<1024x384xf32>
    %max3A = arith.constant 9.99999997E-7 : f32
    %max3A_22 = vector.broadcast %max3A : f32 to vector<1024x384xf32>
    %max3A_23 = arith.maximumf %abs3A, %max3A_22 : vector<1024x384xf32>
    %div3A = arith.divf %get3A_17, %max3A_23 : vector<1024x384xf32>
    %swap3A = arith.index_cast %rem3A_0 : i32 to index
    %swap3A_24 = arith.constant 0 : index
    %swap3A_25 = arith.constant 0 : index
    %swap3A_26 = vector.load %arg6[%swap3A, %swap3A_24, %swap3A_25] : memref<2x1024x384xf32, #tpu.memory_space<vmem>>, vector<1x1024x384xf32>
    %swap3A_27 = vector.shape_cast %swap3A_26 : vector<1x1024x384xf32> to vector<1024x384xf32>
    %swap3A_28 = vector.shape_cast %div3A : vector<1024x384xf32> to vector<1x1024x384xf32>
    tpu.vector_store %arg6[%swap3A, %swap3A_24, %swap3A_25], %swap3A_28 {strides = array<i32>} : memref<2x1024x384xf32, #tpu.memory_space<vmem>>, vector<1x1024x384xf32>,
    %iota3A = tpu.iota {dimensions = array<i32: 0>} : vector<1024x384xi32>
    %slice3A = vector.extract_strided_slice %get3A_7 {offsets = [0, 0], sizes = [512, 384], strides = [1, 1]} : vector<1024x384xf32> to vector<512x384xf32>
    %slice3A_29 = vector.extract_strided_slice %get3A_7 {offsets = [512, 0], sizes = [512, 384], strides = [1, 1]} : vector<1024x384xf32> to vector<512x384xf32>
    %max3A_30 = arith.maximumf %slice3A, %slice3A_29 : vector<512x384xf32>
    %slice3A_31 = vector.extract_strided_slice %max3A_30 {offsets = [0, 0], sizes = [256, 384], strides = [1, 1]} : vector<512x384xf32> to vector<256x384xf32>
    %slice3A_32 = vector.extract_strided_slice %max3A_30 {offsets = [256, 0], sizes = [256, 384], strides = [1, 1]} : vector<512x384xf32> to vector<256x384xf32>
    %max3A_33 = arith.maximumf %slice3A_31, %slice3A_32 : vector<256x384xf32>
    %slice3A_34 = vector.extract_strided_slice %max3A_33 {offsets = [0, 0], sizes = [128, 384], strides = [1, 1]} : vector<256x384xf32> to vector<128x384xf32>
    %slice3A_35 = vector.extract_strided_slice %max3A_33 {offsets = [128, 0], sizes = [128, 384], strides = [1, 1]} : vector<256x384xf32> to vector<128x384xf32>
    %max3A_36 = arith.maximumf %slice3A_34, %slice3A_35 : vector<128x384xf32>
    %slice3A_37 = vector.extract_strided_slice %max3A_36 {offsets = [0, 0], sizes = [64, 384], strides = [1, 1]} : vector<128x384xf32> to vector<64x384xf32>
    %slice3A_38 = vector.extract_strided_slice %max3A_36 {offsets = [64, 0], sizes = [64, 384], strides = [1, 1]} : vector<128x384xf32> to vector<64x384xf32>
    %max3A_39 = arith.maximumf %slice3A_37, %slice3A_38 : vector<64x384xf32>
    %slice3A_40 = vector.extract_strided_slice %max3A_39 {offsets = [0, 0], sizes = [32, 384], strides = [1, 1]} : vector<64x384xf32> to vector<32x384xf32>
    %slice3A_41 = vector.extract_strided_slice %max3A_39 {offsets = [32, 0], sizes = [32, 384], strides = [1, 1]} : vector<64x384xf32> to vector<32x384xf32>
    %max3A_42 = arith.maximumf %slice3A_40, %slice3A_41 : vector<32x384xf32>
    %slice3A_43 = vector.extract_strided_slice %max3A_42 {offsets = [0, 0], sizes = [16, 384], strides = [1, 1]} : vector<32x384xf32> to vector<16x384xf32>
    %slice3A_44 = vector.extract_strided_slice %max3A_42 {offsets = [16, 0], sizes = [16, 384], strides = [1, 1]} : vector<32x384xf32> to vector<16x384xf32>
    %max3A_45 = arith.maximumf %slice3A_43, %slice3A_44 : vector<16x384xf32>
    %slice3A_46 = vector.extract_strided_slice %max3A_45 {offsets = [0, 0], sizes = [8, 384], strides = [1, 1]} : vector<16x384xf32> to vector<8x384xf32>
    %slice3A_47 = vector.extract_strided_slice %max3A_45 {offsets = [8, 0], sizes = [8, 384], strides = [1, 1]} : vector<16x384xf32> to vector<8x384xf32>
    %max3A_48 = arith.maximumf %slice3A_46, %slice3A_47 : vector<8x384xf32>
    %reduce_max3A = arith.constant dense<0xFF800000> : vector<384xf32>
    %reduce_max3A_49 = vector.multi_reduction <maximumf>, %max3A_48, %reduce_max3A [0] : vector<8x384xf32> to vector<384xf32>
    %broadcast_in_dim3A = vector.shape_cast %reduce_max3A_49 : vector<384xf32> to vector<1x384xf32>
    %slice3A_50 = vector.extract_strided_slice %get3A_7 {offsets = [0, 0], sizes = [512, 384], strides = [1, 1]} : vector<1024x384xf32> to vector<512x384xf32>
    %eq3A = vector.broadcast %broadcast_in_dim3A : vector<1x384xf32> to vector<512x384xf32>
    %eq3A_51 = arith.cmpf oeq, %slice3A_50, %eq3A : vector<512x384xf32>
    %slice3A_52 = vector.extract_strided_slice %iota3A {offsets = [0, 0], sizes = [512, 384], strides = [1, 1]} : vector<1024x384xi32> to vector<512x384xi32>
    %jit3A = arith.constant 1024 : i32
    %broadcast_in_dim3A_53 = vector.broadcast %jit3A : i32 to vector<512x384xi32>
    %select_n3A = arith.select %eq3A_51, %slice3A_52, %broadcast_in_dim3A_53 : vector<512x384xi1>, vector<512x384xi32>
    %slice3A_54 = vector.extract_strided_slice %get3A_7 {offsets = [512, 0], sizes = [512, 384], strides = [1, 1]} : vector<1024x384xf32> to vector<512x384xf32>
    %eq3A_55 = vector.broadcast %broadcast_in_dim3A : vector<1x384xf32> to vector<512x384xf32>
    %eq3A_56 = arith.cmpf oeq, %slice3A_54, %eq3A_55 : vector<512x384xf32>
    %slice3A_57 = vector.extract_strided_slice %iota3A {offsets = [512, 0], sizes = [512, 384], strides = [1, 1]} : vector<1024x384xi32> to vector<512x384xi32>
    %jit3A_58 = arith.constant 1024 : i32
    %broadcast_in_dim3A_59 = vector.broadcast %jit3A_58 : i32 to vector<512x384xi32>
    %select_n3A_60 = arith.select %eq3A_56, %slice3A_57, %broadcast_in_dim3A_59 : vector<512x384xi1>, vector<512x384xi32>
    %min3A = arith.minsi %select_n3A, %select_n3A_60 : vector<512x384xi32>
    %slice3A_61 = vector.extract_strided_slice %min3A {offsets = [0, 0], sizes = [256, 384], strides = [1, 1]} : vector<512x384xi32> to vector<256x384xi32>
    %slice3A_62 = vector.extract_strided_slice %min3A {offsets = [256, 0], sizes = [256, 384], strides = [1, 1]} : vector<512x384xi32> to vector<256x384xi32>
    %min3A_63 = arith.minsi %slice3A_61, %slice3A_62 : vector<256x384xi32>
    %slice3A_64 = vector.extract_strided_slice %min3A_63 {offsets = [0, 0], sizes = [128, 384], strides = [1, 1]} : vector<256x384xi32> to vector<128x384xi32>
    %slice3A_65 = vector.extract_strided_slice %min3A_63 {offsets = [128, 0], sizes = [128, 384], strides = [1, 1]} : vector<256x384xi32> to vector<128x384xi32>
    %min3A_66 = arith.minsi %slice3A_64, %slice3A_65 : vector<128x384xi32>
    %slice3A_67 = vector.extract_strided_slice %min3A_66 {offsets = [0, 0], sizes = [64, 384], strides = [1, 1]} : vector<128x384xi32> to vector<64x384xi32>
    %slice3A_68 = vector.extract_strided_slice %min3A_66 {offsets = [64, 0], sizes = [64, 384], strides = [1, 1]} : vector<128x384xi32> to vector<64x384xi32>
    %min3A_69 = arith.minsi %slice3A_67, %slice3A_68 : vector<64x384xi32>
    %slice3A_70 = vector.extract_strided_slice %min3A_69 {offsets = [0, 0], sizes = [32, 384], strides = [1, 1]} : vector<64x384xi32> to vector<32x384xi32>
    %slice3A_71 = vector.extract_strided_slice %min3A_69 {offsets = [32, 0], sizes = [32, 384], strides = [1, 1]} : vector<64x384xi32> to vector<32x384xi32>
    %min3A_72 = arith.minsi %slice3A_70, %slice3A_71 : vector<32x384xi32>
    %slice3A_73 = vector.extract_strided_slice %min3A_72 {offsets = [0, 0], sizes = [16, 384], strides = [1, 1]} : vector<32x384xi32> to vector<16x384xi32>
    %slice3A_74 = vector.extract_strided_slice %min3A_72 {offsets = [16, 0], sizes = [16, 384], strides = [1, 1]} : vector<32x384xi32> to vector<16x384xi32>
    %min3A_75 = arith.minsi %slice3A_73, %slice3A_74 : vector<16x384xi32>
    %slice3A_76 = vector.extract_strided_slice %min3A_75 {offsets = [0, 0], sizes = [8, 384], strides = [1, 1]} : vector<16x384xi32> to vector<8x384xi32>
    %slice3A_77 = vector.extract_strided_slice %min3A_75 {offsets = [8, 0], sizes = [8, 384], strides = [1, 1]} : vector<16x384xi32> to vector<8x384xi32>
    %min3A_78 = arith.minsi %slice3A_76, %slice3A_77 : vector<8x384xi32>
    %reduce_min3A = arith.constant dense<2147483647> : vector<384xi32>
    %reduce_min3A_79 = vector.multi_reduction <minsi>, %min3A_78, %reduce_min3A [0] : vector<8x384xi32> to vector<384xi32>
    %broadcast_in_dim3A_80 = vector.shape_cast %reduce_min3A_79 : vector<384xi32> to vector<1x384xi32>
    %squeeze3A = vector.shape_cast %broadcast_in_dim3A_80 : vector<1x384xi32> to vector<384xi32>
    %swap3A_81 = arith.constant 0 : index
    %swap3A_82 = arith.constant 0 : index
    %swap3A_83 = arith.constant 0 : index
    %swap3A_84 = vector.load %arg5[%swap3A_81, %swap3A_82, %swap3A_83] : memref<1x8x384xi32, #tpu.memory_space<vmem>>, vector<1x1x384xi32>
    %swap3A_85 = vector.shape_cast %swap3A_84 : vector<1x1x384xi32> to vector<384xi32>
    %swap3A_86 = vector.shape_cast %squeeze3A : vector<384xi32> to vector<1x1x384xi32>
    tpu.vector_store %arg5[%swap3A_81, %swap3A_82, %swap3A_83], %swap3A_86 {strides = array<i32>} : memref<1x8x384xi32, #tpu.memory_space<vmem>>, vector<1x1x384xi32>,
    %eq3A_87 = vector.broadcast %broadcast_in_dim3A_80 : vector<1x384xi32> to vector<1024x384xi32>
    %eq3A_88 = arith.cmpi eq, %iota3A, %eq3A_87 : vector<1024x384xi32>
    %jit3A_89 = arith.constant 0xFF800000 : f32
    %broadcast_in_dim3A_90 = vector.broadcast %jit3A_89 : f32 to vector<1024x384xf32>
    %select_n3A_91 = arith.select %eq3A_88, %broadcast_in_dim3A_90, %get3A_7 : vector<1024x384xi1>, vector<1024x384xf32>
    %slice3A_92 = vector.extract_strided_slice %select_n3A_91 {offsets = [0, 0], sizes = [512, 384], strides = [1, 1]} : vector<1024x384xf32> to vector<512x384xf32>
    %slice3A_93 = vector.extract_strided_slice %select_n3A_91 {offsets = [512, 0], sizes = [512, 384], strides = [1, 1]} : vector<1024x384xf32> to vector<512x384xf32>
    %max3A_94 = arith.maximumf %slice3A_92, %slice3A_93 : vector<512x384xf32>
    %slice3A_95 = vector.extract_strided_slice %max3A_94 {offsets = [0, 0], sizes = [256, 384], strides = [1, 1]} : vector<512x384xf32> to vector<256x384xf32>
    %slice3A_96 = vector.extract_strided_slice %max3A_94 {offsets = [256, 0], sizes = [256, 384], strides = [1, 1]} : vector<512x384xf32> to vector<256x384xf32>
    %max3A_97 = arith.maximumf %slice3A_95, %slice3A_96 : vector<256x384xf32>
    %slice3A_98 = vector.extract_strided_slice %max3A_97 {offsets = [0, 0], sizes = [128, 384], strides = [1, 1]} : vector<256x384xf32> to vector<128x384xf32>
    %slice3A_99 = vector.extract_strided_slice %max3A_97 {offsets = [128, 0], sizes = [128, 384], strides = [1, 1]} : vector<256x384xf32> to vector<128x384xf32>
    %max3A_100 = arith.maximumf %slice3A_98, %slice3A_99 : vector<128x384xf32>
    %slice3A_101 = vector.extract_strided_slice %max3A_100 {offsets = [0, 0], sizes = [64, 384], strides = [1, 1]} : vector<128x384xf32> to vector<64x384xf32>
    %slice3A_102 = vector.extract_strided_slice %max3A_100 {offsets = [64, 0], sizes = [64, 384], strides = [1, 1]} : vector<128x384xf32> to vector<64x384xf32>
    %max3A_103 = arith.maximumf %slice3A_101, %slice3A_102 : vector<64x384xf32>
    %slice3A_104 = vector.extract_strided_slice %max3A_103 {offsets = [0, 0], sizes = [32, 384], strides = [1, 1]} : vector<64x384xf32> to vector<32x384xf32>
    %slice3A_105 = vector.extract_strided_slice %max3A_103 {offsets = [32, 0], sizes = [32, 384], strides = [1, 1]} : vector<64x384xf32> to vector<32x384xf32>
    %max3A_106 = arith.maximumf %slice3A_104, %slice3A_105 : vector<32x384xf32>
    %slice3A_107 = vector.extract_strided_slice %max3A_106 {offsets = [0, 0], sizes = [16, 384], strides = [1, 1]} : vector<32x384xf32> to vector<16x384xf32>
    %slice3A_108 = vector.extract_strided_slice %max3A_106 {offsets = [16, 0], sizes = [16, 384], strides = [1, 1]} : vector<32x384xf32> to vector<16x384xf32>
    %max3A_109 = arith.maximumf %slice3A_107, %slice3A_108 : vector<16x384xf32>
    %slice3A_110 = vector.extract_strided_slice %max3A_109 {offsets = [0, 0], sizes = [8, 384], strides = [1, 1]} : vector<16x384xf32> to vector<8x384xf32>
    %slice3A_111 = vector.extract_strided_slice %max3A_109 {offsets = [8, 0], sizes = [8, 384], strides = [1, 1]} : vector<16x384xf32> to vector<8x384xf32>
    %max3A_112 = arith.maximumf %slice3A_110, %slice3A_111 : vector<8x384xf32>
    %reduce_max3A_113 = arith.constant dense<0xFF800000> : vector<384xf32>
    %reduce_max3A_114 = vector.multi_reduction <maximumf>, %max3A_112, %reduce_max3A_113 [0] : vector<8x384xf32> to vector<384xf32>
    %broadcast_in_dim3A_115 = vector.shape_cast %reduce_max3A_114 : vector<384xf32> to vector<1x384xf32>
    %slice3A_116 = vector.extract_strided_slice %select_n3A_91 {offsets = [0, 0], sizes = [512, 384], strides = [1, 1]} : vector<1024x384xf32> to vector<512x384xf32>
    %eq3A_117 = vector.broadcast %broadcast_in_dim3A_115 : vector<1x384xf32> to vector<512x384xf32>
    %eq3A_118 = arith.cmpf oeq, %slice3A_116, %eq3A_117 : vector<512x384xf32>
    %slice3A_119 = vector.extract_strided_slice %iota3A {offsets = [0, 0], sizes = [512, 384], strides = [1, 1]} : vector<1024x384xi32> to vector<512x384xi32>
    %jit3A_120 = arith.constant 1024 : i32
    %broadcast_in_dim3A_121 = vector.broadcast %jit3A_120 : i32 to vector<512x384xi32>
    %select_n3A_122 = arith.select %eq3A_118, %slice3A_119, %broadcast_in_dim3A_121 : vector<512x384xi1>, vector<512x384xi32>
    %slice3A_123 = vector.extract_strided_slice %select_n3A_91 {offsets = [512, 0], sizes = [512, 384], strides = [1, 1]} : vector<1024x384xf32> to vector<512x384xf32>
    %eq3A_124 = vector.broadcast %broadcast_in_dim3A_115 : vector<1x384xf32> to vector<512x384xf32>
    %eq3A_125 = arith.cmpf oeq, %slice3A_123, %eq3A_124 : vector<512x384xf32>
    %slice3A_126 = vector.extract_strided_slice %iota3A {offsets = [512, 0], sizes = [512, 384], strides = [1, 1]} : vector<1024x384xi32> to vector<512x384xi32>
    %jit3A_127 = arith.constant 1024 : i32
    %broadcast_in_dim3A_128 = vector.broadcast %jit3A_127 : i32 to vector<512x384xi32>
    %select_n3A_129 = arith.select %eq3A_125, %slice3A_126, %broadcast_in_dim3A_128 : vector<512x384xi1>, vector<512x384xi32>
    %min3A_130 = arith.minsi %select_n3A_122, %select_n3A_129 : vector<512x384xi32>
    %slice3A_131 = vector.extract_strided_slice %min3A_130 {offsets = [0, 0], sizes = [256, 384], strides = [1, 1]} : vector<512x384xi32> to vector<256x384xi32>
    %slice3A_132 = vector.extract_strided_slice %min3A_130 {offsets = [256, 0], sizes = [256, 384], strides = [1, 1]} : vector<512x384xi32> to vector<256x384xi32>
    %min3A_133 = arith.minsi %slice3A_131, %slice3A_132 : vector<256x384xi32>
    %slice3A_134 = vector.extract_strided_slice %min3A_133 {offsets = [0, 0], sizes = [128, 384], strides = [1, 1]} : vector<256x384xi32> to vector<128x384xi32>
    %slice3A_135 = vector.extract_strided_slice %min3A_133 {offsets = [128, 0], sizes = [128, 384], strides = [1, 1]} : vector<256x384xi32> to vector<128x384xi32>
    %min3A_136 = arith.minsi %slice3A_134, %slice3A_135 : vector<128x384xi32>
    %slice3A_137 = vector.extract_strided_slice %min3A_136 {offsets = [0, 0], sizes = [64, 384], strides = [1, 1]} : vector<128x384xi32> to vector<64x384xi32>
    %slice3A_138 = vector.extract_strided_slice %min3A_136 {offsets = [64, 0], sizes = [64, 384], strides = [1, 1]} : vector<128x384xi32> to vector<64x384xi32>
    %min3A_139 = arith.minsi %slice3A_137, %slice3A_138 : vector<64x384xi32>
    %slice3A_140 = vector.extract_strided_slice %min3A_139 {offsets = [0, 0], sizes = [32, 384], strides = [1, 1]} : vector<64x384xi32> to vector<32x384xi32>
    %slice3A_141 = vector.extract_strided_slice %min3A_139 {offsets = [32, 0], sizes = [32, 384], strides = [1, 1]} : vector<64x384xi32> to vector<32x384xi32>
    %min3A_142 = arith.minsi %slice3A_140, %slice3A_141 : vector<32x384xi32>
    %slice3A_143 = vector.extract_strided_slice %min3A_142 {offsets = [0, 0], sizes = [16, 384], strides = [1, 1]} : vector<32x384xi32> to vector<16x384xi32>
    %slice3A_144 = vector.extract_strided_slice %min3A_142 {offsets = [16, 0], sizes = [16, 384], strides = [1, 1]} : vector<32x384xi32> to vector<16x384xi32>
    %min3A_145 = arith.minsi %slice3A_143, %slice3A_144 : vector<16x384xi32>
    %slice3A_146 = vector.extract_strided_slice %min3A_145 {offsets = [0, 0], sizes = [8, 384], strides = [1, 1]} : vector<16x384xi32> to vector<8x384xi32>
    %slice3A_147 = vector.extract_strided_slice %min3A_145 {offsets = [8, 0], sizes = [8, 384], strides = [1, 1]} : vector<16x384xi32> to vector<8x384xi32>
    %min3A_148 = arith.minsi %slice3A_146, %slice3A_147 : vector<8x384xi32>
    %reduce_min3A_149 = arith.constant dense<2147483647> : vector<384xi32>
    %reduce_min3A_150 = vector.multi_reduction <minsi>, %min3A_148, %reduce_min3A_149 [0] : vector<8x384xi32> to vector<384xi32>
    %broadcast_in_dim3A_151 = vector.shape_cast %reduce_min3A_150 : vector<384xi32> to vector<1x384xi32>
    %squeeze3A_152 = vector.shape_cast %broadcast_in_dim3A_151 : vector<1x384xi32> to vector<384xi32>
    %swap3A_153 = arith.constant 0 : index
    %swap3A_154 = arith.constant 1 : index
    %swap3A_155 = arith.constant 0 : index
    %swap3A_156 = vector.load %arg5[%swap3A_153, %swap3A_154, %swap3A_155] : memref<1x8x384xi32, #tpu.memory_space<vmem>>, vector<1x1x384xi32>
    %swap3A_157 = vector.shape_cast %swap3A_156 : vector<1x1x384xi32> to vector<384xi32>
    %swap3A_158 = vector.shape_cast %squeeze3A_152 : vector<384xi32> to vector<1x1x384xi32>
    tpu.vector_store %arg5[%swap3A_153, %swap3A_154, %swap3A_155], %swap3A_158 {strides = array<i32>} : memref<1x8x384xi32, #tpu.memory_space<vmem>>, vector<1x1x384xi32>,
    %eq3A_159 = vector.broadcast %broadcast_in_dim3A_151 : vector<1x384xi32> to vector<1024x384xi32>
    %eq3A_160 = arith.cmpi eq, %iota3A, %eq3A_159 : vector<1024x384xi32>
    %jit3A_161 = arith.constant 0xFF800000 : f32
    %broadcast_in_dim3A_162 = vector.broadcast %jit3A_161 : f32 to vector<1024x384xf32>
    %select_n3A_163 = arith.select %eq3A_160, %broadcast_in_dim3A_162, %select_n3A_91 : vector<1024x384xi1>, vector<1024x384xf32>
    %slice3A_164 = vector.extract_strided_slice %select_n3A_163 {offsets = [0, 0], sizes = [512, 384], strides = [1, 1]} : vector<1024x384xf32> to vector<512x384xf32>
    %slice3A_165 = vector.extract_strided_slice %select_n3A_163 {offsets = [512, 0], sizes = [512, 384], strides = [1, 1]} : vector<1024x384xf32> to vector<512x384xf32>
    %max3A_166 = arith.maximumf %slice3A_164, %slice3A_165 : vector<512x384xf32>
    %slice3A_167 = vector.extract_strided_slice %max3A_166 {offsets = [0, 0], sizes = [256, 384], strides = [1, 1]} : vector<512x384xf32> to vector<256x384xf32>
    %slice3A_168 = vector.extract_strided_slice %max3A_166 {offsets = [256, 0], sizes = [256, 384], strides = [1, 1]} : vector<512x384xf32> to vector<256x384xf32>
    %max3A_169 = arith.maximumf %slice3A_167, %slice3A_168 : vector<256x384xf32>
    %slice3A_170 = vector.extract_strided_slice %max3A_169 {offsets = [0, 0], sizes = [128, 384], strides = [1, 1]} : vector<256x384xf32> to vector<128x384xf32>
    %slice3A_171 = vector.extract_strided_slice %max3A_169 {offsets = [128, 0], sizes = [128, 384], strides = [1, 1]} : vector<256x384xf32> to vector<128x384xf32>
    %max3A_172 = arith.maximumf %slice3A_170, %slice3A_171 : vector<128x384xf32>
    %slice3A_173 = vector.extract_strided_slice %max3A_172 {offsets = [0, 0], sizes = [64, 384], strides = [1, 1]} : vector<128x384xf32> to vector<64x384xf32>
    %slice3A_174 = vector.extract_strided_slice %max3A_172 {offsets = [64, 0], sizes = [64, 384], strides = [1, 1]} : vector<128x384xf32> to vector<64x384xf32>
    %max3A_175 = arith.maximumf %slice3A_173, %slice3A_174 : vector<64x384xf32>
    %slice3A_176 = vector.extract_strided_slice %max3A_175 {offsets = [0, 0], sizes = [32, 384], strides = [1, 1]} : vector<64x384xf32> to vector<32x384xf32>
    %slice3A_177 = vector.extract_strided_slice %max3A_175 {offsets = [32, 0], sizes = [32, 384], strides = [1, 1]} : vector<64x384xf32> to vector<32x384xf32>
    %max3A_178 = arith.maximumf %slice3A_176, %slice3A_177 : vector<32x384xf32>
    %slice3A_179 = vector.extract_strided_slice %max3A_178 {offsets = [0, 0], sizes = [16, 384], strides = [1, 1]} : vector<32x384xf32> to vector<16x384xf32>
    %slice3A_180 = vector.extract_strided_slice %max3A_178 {offsets = [16, 0], sizes = [16, 384], strides = [1, 1]} : vector<32x384xf32> to vector<16x384xf32>
    %max3A_181 = arith.maximumf %slice3A_179, %slice3A_180 : vector<16x384xf32>
    %slice3A_182 = vector.extract_strided_slice %max3A_181 {offsets = [0, 0], sizes = [8, 384], strides = [1, 1]} : vector<16x384xf32> to vector<8x384xf32>
    %slice3A_183 = vector.extract_strided_slice %max3A_181 {offsets = [8, 0], sizes = [8, 384], strides = [1, 1]} : vector<16x384xf32> to vector<8x384xf32>
    %max3A_184 = arith.maximumf %slice3A_182, %slice3A_183 : vector<8x384xf32>
    %reduce_max3A_185 = arith.constant dense<0xFF800000> : vector<384xf32>
    %reduce_max3A_186 = vector.multi_reduction <maximumf>, %max3A_184, %reduce_max3A_185 [0] : vector<8x384xf32> to vector<384xf32>
    %broadcast_in_dim3A_187 = vector.shape_cast %reduce_max3A_186 : vector<384xf32> to vector<1x384xf32>
    %slice3A_188 = vector.extract_strided_slice %select_n3A_163 {offsets = [0, 0], sizes = [512, 384], strides = [1, 1]} : vector<1024x384xf32> to vector<512x384xf32>
    %eq3A_189 = vector.broadcast %broadcast_in_dim3A_187 : vector<1x384xf32> to vector<512x384xf32>
    %eq3A_190 = arith.cmpf oeq, %slice3A_188, %eq3A_189 : vector<512x384xf32>
    %slice3A_191 = vector.extract_strided_slice %iota3A {offsets = [0, 0], sizes = [512, 384], strides = [1, 1]} : vector<1024x384xi32> to vector<512x384xi32>
    %jit3A_192 = arith.constant 1024 : i32
    %broadcast_in_dim3A_193 = vector.broadcast %jit3A_192 : i32 to vector<512x384xi32>
    %select_n3A_194 = arith.select %eq3A_190, %slice3A_191, %broadcast_in_dim3A_193 : vector<512x384xi1>, vector<512x384xi32>
    %slice3A_195 = vector.extract_strided_slice %select_n3A_163 {offsets = [512, 0], sizes = [512, 384], strides = [1, 1]} : vector<1024x384xf32> to vector<512x384xf32>
    %eq3A_196 = vector.broadcast %broadcast_in_dim3A_187 : vector<1x384xf32> to vector<512x384xf32>
    %eq3A_197 = arith.cmpf oeq, %slice3A_195, %eq3A_196 : vector<512x384xf32>
    %slice3A_198 = vector.extract_strided_slice %iota3A {offsets = [512, 0], sizes = [512, 384], strides = [1, 1]} : vector<1024x384xi32> to vector<512x384xi32>
    %jit3A_199 = arith.constant 1024 : i32
    %broadcast_in_dim3A_200 = vector.broadcast %jit3A_199 : i32 to vector<512x384xi32>
    %select_n3A_201 = arith.select %eq3A_197, %slice3A_198, %broadcast_in_dim3A_200 : vector<512x384xi1>, vector<512x384xi32>
    %min3A_202 = arith.minsi %select_n3A_194, %select_n3A_201 : vector<512x384xi32>
    %slice3A_203 = vector.extract_strided_slice %min3A_202 {offsets = [0, 0], sizes = [256, 384], strides = [1, 1]} : vector<512x384xi32> to vector<256x384xi32>
    %slice3A_204 = vector.extract_strided_slice %min3A_202 {offsets = [256, 0], sizes = [256, 384], strides = [1, 1]} : vector<512x384xi32> to vector<256x384xi32>
    %min3A_205 = arith.minsi %slice3A_203, %slice3A_204 : vector<256x384xi32>
    %slice3A_206 = vector.extract_strided_slice %min3A_205 {offsets = [0, 0], sizes = [128, 384], strides = [1, 1]} : vector<256x384xi32> to vector<128x384xi32>
    %slice3A_207 = vector.extract_strided_slice %min3A_205 {offsets = [128, 0], sizes = [128, 384], strides = [1, 1]} : vector<256x384xi32> to vector<128x384xi32>
    %min3A_208 = arith.minsi %slice3A_206, %slice3A_207 : vector<128x384xi32>
    %slice3A_209 = vector.extract_strided_slice %min3A_208 {offsets = [0, 0], sizes = [64, 384], strides = [1, 1]} : vector<128x384xi32> to vector<64x384xi32>
    %slice3A_210 = vector.extract_strided_slice %min3A_208 {offsets = [64, 0], sizes = [64, 384], strides = [1, 1]} : vector<128x384xi32> to vector<64x384xi32>
    %min3A_211 = arith.minsi %slice3A_209, %slice3A_210 : vector<64x384xi32>
    %slice3A_212 = vector.extract_strided_slice %min3A_211 {offsets = [0, 0], sizes = [32, 384], strides = [1, 1]} : vector<64x384xi32> to vector<32x384xi32>
    %slice3A_213 = vector.extract_strided_slice %min3A_211 {offsets = [32, 0], sizes = [32, 384], strides = [1, 1]} : vector<64x384xi32> to vector<32x384xi32>
    %min3A_214 = arith.minsi %slice3A_212, %slice3A_213 : vector<32x384xi32>
    %slice3A_215 = vector.extract_strided_slice %min3A_214 {offsets = [0, 0], sizes = [16, 384], strides = [1, 1]} : vector<32x384xi32> to vector<16x384xi32>
    %slice3A_216 = vector.extract_strided_slice %min3A_214 {offsets = [16, 0], sizes = [16, 384], strides = [1, 1]} : vector<32x384xi32> to vector<16x384xi32>
    %min3A_217 = arith.minsi %slice3A_215, %slice3A_216 : vector<16x384xi32>
    %slice3A_218 = vector.extract_strided_slice %min3A_217 {offsets = [0, 0], sizes = [8, 384], strides = [1, 1]} : vector<16x384xi32> to vector<8x384xi32>
    %slice3A_219 = vector.extract_strided_slice %min3A_217 {offsets = [8, 0], sizes = [8, 384], strides = [1, 1]} : vector<16x384xi32> to vector<8x384xi32>
    %min3A_220 = arith.minsi %slice3A_218, %slice3A_219 : vector<8x384xi32>
    %reduce_min3A_221 = arith.constant dense<2147483647> : vector<384xi32>
    %reduce_min3A_222 = vector.multi_reduction <minsi>, %min3A_220, %reduce_min3A_221 [0] : vector<8x384xi32> to vector<384xi32>
    %broadcast_in_dim3A_223 = vector.shape_cast %reduce_min3A_222 : vector<384xi32> to vector<1x384xi32>
    %squeeze3A_224 = vector.shape_cast %broadcast_in_dim3A_223 : vector<1x384xi32> to vector<384xi32>
    %swap3A_225 = arith.constant 0 : index
    %swap3A_226 = arith.constant 2 : index
    %swap3A_227 = arith.constant 0 : index
    %swap3A_228 = vector.load %arg5[%swap3A_225, %swap3A_226, %swap3A_227] : memref<1x8x384xi32, #tpu.memory_space<vmem>>, vector<1x1x384xi32>
    %swap3A_229 = vector.shape_cast %swap3A_228 : vector<1x1x384xi32> to vector<384xi32>
    %swap3A_230 = vector.shape_cast %squeeze3A_224 : vector<384xi32> to vector<1x1x384xi32>
    tpu.vector_store %arg5[%swap3A_225, %swap3A_226, %swap3A_227], %swap3A_230 {strides = array<i32>} : memref<1x8x384xi32, #tpu.memory_space<vmem>>, vector<1x1x384xi32>,
    %eq3A_231 = vector.broadcast %broadcast_in_dim3A_223 : vector<1x384xi32> to vector<1024x384xi32>
    %eq3A_232 = arith.cmpi eq, %iota3A, %eq3A_231 : vector<1024x384xi32>
    %jit3A_233 = arith.constant 0xFF800000 : f32
    %broadcast_in_dim3A_234 = vector.broadcast %jit3A_233 : f32 to vector<1024x384xf32>
    %select_n3A_235 = arith.select %eq3A_232, %broadcast_in_dim3A_234, %select_n3A_163 : vector<1024x384xi1>, vector<1024x384xf32>
    %slice3A_236 = vector.extract_strided_slice %select_n3A_235 {offsets = [0, 0], sizes = [512, 384], strides = [1, 1]} : vector<1024x384xf32> to vector<512x384xf32>
    %slice3A_237 = vector.extract_strided_slice %select_n3A_235 {offsets = [512, 0], sizes = [512, 384], strides = [1, 1]} : vector<1024x384xf32> to vector<512x384xf32>
    %max3A_238 = arith.maximumf %slice3A_236, %slice3A_237 : vector<512x384xf32>
    %slice3A_239 = vector.extract_strided_slice %max3A_238 {offsets = [0, 0], sizes = [256, 384], strides = [1, 1]} : vector<512x384xf32> to vector<256x384xf32>
    %slice3A_240 = vector.extract_strided_slice %max3A_238 {offsets = [256, 0], sizes = [256, 384], strides = [1, 1]} : vector<512x384xf32> to vector<256x384xf32>
    %max3A_241 = arith.maximumf %slice3A_239, %slice3A_240 : vector<256x384xf32>
    %slice3A_242 = vector.extract_strided_slice %max3A_241 {offsets = [0, 0], sizes = [128, 384], strides = [1, 1]} : vector<256x384xf32> to vector<128x384xf32>
    %slice3A_243 = vector.extract_strided_slice %max3A_241 {offsets = [128, 0], sizes = [128, 384], strides = [1, 1]} : vector<256x384xf32> to vector<128x384xf32>
    %max3A_244 = arith.maximumf %slice3A_242, %slice3A_243 : vector<128x384xf32>
    %slice3A_245 = vector.extract_strided_slice %max3A_244 {offsets = [0, 0], sizes = [64, 384], strides = [1, 1]} : vector<128x384xf32> to vector<64x384xf32>
    %slice3A_246 = vector.extract_strided_slice %max3A_244 {offsets = [64, 0], sizes = [64, 384], strides = [1, 1]} : vector<128x384xf32> to vector<64x384xf32>
    %max3A_247 = arith.maximumf %slice3A_245, %slice3A_246 : vector<64x384xf32>
    %slice3A_248 = vector.extract_strided_slice %max3A_247 {offsets = [0, 0], sizes = [32, 384], strides = [1, 1]} : vector<64x384xf32> to vector<32x384xf32>
    %slice3A_249 = vector.extract_strided_slice %max3A_247 {offsets = [32, 0], sizes = [32, 384], strides = [1, 1]} : vector<64x384xf32> to vector<32x384xf32>
    %max3A_250 = arith.maximumf %slice3A_248, %slice3A_249 : vector<32x384xf32>
    %slice3A_251 = vector.extract_strided_slice %max3A_250 {offsets = [0, 0], sizes = [16, 384], strides = [1, 1]} : vector<32x384xf32> to vector<16x384xf32>
    %slice3A_252 = vector.extract_strided_slice %max3A_250 {offsets = [16, 0], sizes = [16, 384], strides = [1, 1]} : vector<32x384xf32> to vector<16x384xf32>
    %max3A_253 = arith.maximumf %slice3A_251, %slice3A_252 : vector<16x384xf32>
    %slice3A_254 = vector.extract_strided_slice %max3A_253 {offsets = [0, 0], sizes = [8, 384], strides = [1, 1]} : vector<16x384xf32> to vector<8x384xf32>
    %slice3A_255 = vector.extract_strided_slice %max3A_253 {offsets = [8, 0], sizes = [8, 384], strides = [1, 1]} : vector<16x384xf32> to vector<8x384xf32>
    %max3A_256 = arith.maximumf %slice3A_254, %slice3A_255 : vector<8x384xf32>
    %reduce_max3A_257 = arith.constant dense<0xFF800000> : vector<384xf32>
    %reduce_max3A_258 = vector.multi_reduction <maximumf>, %max3A_256, %reduce_max3A_257 [0] : vector<8x384xf32> to vector<384xf32>
    %broadcast_in_dim3A_259 = vector.shape_cast %reduce_max3A_258 : vector<384xf32> to vector<1x384xf32>
    %slice3A_260 = vector.extract_strided_slice %select_n3A_235 {offsets = [0, 0], sizes = [512, 384], strides = [1, 1]} : vector<1024x384xf32> to vector<512x384xf32>
    %eq3A_261 = vector.broadcast %broadcast_in_dim3A_259 : vector<1x384xf32> to vector<512x384xf32>
    %eq3A_262 = arith.cmpf oeq, %slice3A_260, %eq3A_261 : vector<512x384xf32>
    %slice3A_263 = vector.extract_strided_slice %iota3A {offsets = [0, 0], sizes = [512, 384], strides = [1, 1]} : vector<1024x384xi32> to vector<512x384xi32>
    %jit3A_264 = arith.constant 1024 : i32
    %broadcast_in_dim3A_265 = vector.broadcast %jit3A_264 : i32 to vector<512x384xi32>
    %select_n3A_266 = arith.select %eq3A_262, %slice3A_263, %broadcast_in_dim3A_265 : vector<512x384xi1>, vector<512x384xi32>
    %slice3A_267 = vector.extract_strided_slice %select_n3A_235 {offsets = [512, 0], sizes = [512, 384], strides = [1, 1]} : vector<1024x384xf32> to vector<512x384xf32>
    %eq3A_268 = vector.broadcast %broadcast_in_dim3A_259 : vector<1x384xf32> to vector<512x384xf32>
    %eq3A_269 = arith.cmpf oeq, %slice3A_267, %eq3A_268 : vector<512x384xf32>
    %slice3A_270 = vector.extract_strided_slice %iota3A {offsets = [512, 0], sizes = [512, 384], strides = [1, 1]} : vector<1024x384xi32> to vector<512x384xi32>
    %jit3A_271 = arith.constant 1024 : i32
    %broadcast_in_dim3A_272 = vector.broadcast %jit3A_271 : i32 to vector<512x384xi32>
    %select_n3A_273 = arith.select %eq3A_269, %slice3A_270, %broadcast_in_dim3A_272 : vector<512x384xi1>, vector<512x384xi32>
    %min3A_274 = arith.minsi %select_n3A_266, %select_n3A_273 : vector<512x384xi32>
    %slice3A_275 = vector.extract_strided_slice %min3A_274 {offsets = [0, 0], sizes = [256, 384], strides = [1, 1]} : vector<512x384xi32> to vector<256x384xi32>
    %slice3A_276 = vector.extract_strided_slice %min3A_274 {offsets = [256, 0], sizes = [256, 384], strides = [1, 1]} : vector<512x384xi32> to vector<256x384xi32>
    %min3A_277 = arith.minsi %slice3A_275, %slice3A_276 : vector<256x384xi32>
    %slice3A_278 = vector.extract_strided_slice %min3A_277 {offsets = [0, 0], sizes = [128, 384], strides = [1, 1]} : vector<256x384xi32> to vector<128x384xi32>
    %slice3A_279 = vector.extract_strided_slice %min3A_277 {offsets = [128, 0], sizes = [128, 384], strides = [1, 1]} : vector<256x384xi32> to vector<128x384xi32>
    %min3A_280 = arith.minsi %slice3A_278, %slice3A_279 : vector<128x384xi32>
    %slice3A_281 = vector.extract_strided_slice %min3A_280 {offsets = [0, 0], sizes = [64, 384], strides = [1, 1]} : vector<128x384xi32> to vector<64x384xi32>
    %slice3A_282 = vector.extract_strided_slice %min3A_280 {offsets = [64, 0], sizes = [64, 384], strides = [1, 1]} : vector<128x384xi32> to vector<64x384xi32>
    %min3A_283 = arith.minsi %slice3A_281, %slice3A_282 : vector<64x384xi32>
    %slice3A_284 = vector.extract_strided_slice %min3A_283 {offsets = [0, 0], sizes = [32, 384], strides = [1, 1]} : vector<64x384xi32> to vector<32x384xi32>
    %slice3A_285 = vector.extract_strided_slice %min3A_283 {offsets = [32, 0], sizes = [32, 384], strides = [1, 1]} : vector<64x384xi32> to vector<32x384xi32>
    %min3A_286 = arith.minsi %slice3A_284, %slice3A_285 : vector<32x384xi32>
    %slice3A_287 = vector.extract_strided_slice %min3A_286 {offsets = [0, 0], sizes = [16, 384], strides = [1, 1]} : vector<32x384xi32> to vector<16x384xi32>
    %slice3A_288 = vector.extract_strided_slice %min3A_286 {offsets = [16, 0], sizes = [16, 384], strides = [1, 1]} : vector<32x384xi32> to vector<16x384xi32>
    %min3A_289 = arith.minsi %slice3A_287, %slice3A_288 : vector<16x384xi32>
    %slice3A_290 = vector.extract_strided_slice %min3A_289 {offsets = [0, 0], sizes = [8, 384], strides = [1, 1]} : vector<16x384xi32> to vector<8x384xi32>
    %slice3A_291 = vector.extract_strided_slice %min3A_289 {offsets = [8, 0], sizes = [8, 384], strides = [1, 1]} : vector<16x384xi32> to vector<8x384xi32>
    %min3A_292 = arith.minsi %slice3A_290, %slice3A_291 : vector<8x384xi32>
    %reduce_min3A_293 = arith.constant dense<2147483647> : vector<384xi32>
    %reduce_min3A_294 = vector.multi_reduction <minsi>, %min3A_292, %reduce_min3A_293 [0] : vector<8x384xi32> to vector<384xi32>
    %broadcast_in_dim3A_295 = vector.shape_cast %reduce_min3A_294 : vector<384xi32> to vector<1x384xi32>
    %squeeze3A_296 = vector.shape_cast %broadcast_in_dim3A_295 : vector<1x384xi32> to vector<384xi32>
    %swap3A_297 = arith.constant 0 : index
    %swap3A_298 = arith.constant 3 : index
    %swap3A_299 = arith.constant 0 : index
    %swap3A_300 = vector.load %arg5[%swap3A_297, %swap3A_298, %swap3A_299] : memref<1x8x384xi32, #tpu.memory_space<vmem>>, vector<1x1x384xi32>
    %swap3A_301 = vector.shape_cast %swap3A_300 : vector<1x1x384xi32> to vector<384xi32>
    %swap3A_302 = vector.shape_cast %squeeze3A_296 : vector<384xi32> to vector<1x1x384xi32>
    tpu.vector_store %arg5[%swap3A_297, %swap3A_298, %swap3A_299], %swap3A_302 {strides = array<i32>} : memref<1x8x384xi32, #tpu.memory_space<vmem>>, vector<1x1x384xi32>,
    %eq3A_303 = vector.broadcast %broadcast_in_dim3A_295 : vector<1x384xi32> to vector<1024x384xi32>
    %eq3A_304 = arith.cmpi eq, %iota3A, %eq3A_303 : vector<1024x384xi32>
    %jit3A_305 = arith.constant 0xFF800000 : f32
    %broadcast_in_dim3A_306 = vector.broadcast %jit3A_305 : f32 to vector<1024x384xf32>
    %select_n3A_307 = arith.select %eq3A_304, %broadcast_in_dim3A_306, %select_n3A_235 : vector<1024x384xi1>, vector<1024x384xf32>
    %slice3A_308 = vector.extract_strided_slice %select_n3A_307 {offsets = [0, 0], sizes = [512, 384], strides = [1, 1]} : vector<1024x384xf32> to vector<512x384xf32>
    %slice3A_309 = vector.extract_strided_slice %select_n3A_307 {offsets = [512, 0], sizes = [512, 384], strides = [1, 1]} : vector<1024x384xf32> to vector<512x384xf32>
    %max3A_310 = arith.maximumf %slice3A_308, %slice3A_309 : vector<512x384xf32>
    %slice3A_311 = vector.extract_strided_slice %max3A_310 {offsets = [0, 0], sizes = [256, 384], strides = [1, 1]} : vector<512x384xf32> to vector<256x384xf32>
    %slice3A_312 = vector.extract_strided_slice %max3A_310 {offsets = [256, 0], sizes = [256, 384], strides = [1, 1]} : vector<512x384xf32> to vector<256x384xf32>
    %max3A_313 = arith.maximumf %slice3A_311, %slice3A_312 : vector<256x384xf32>
    %slice3A_314 = vector.extract_strided_slice %max3A_313 {offsets = [0, 0], sizes = [128, 384], strides = [1, 1]} : vector<256x384xf32> to vector<128x384xf32>
    %slice3A_315 = vector.extract_strided_slice %max3A_313 {offsets = [128, 0], sizes = [128, 384], strides = [1, 1]} : vector<256x384xf32> to vector<128x384xf32>
    %max3A_316 = arith.maximumf %slice3A_314, %slice3A_315 : vector<128x384xf32>
    %slice3A_317 = vector.extract_strided_slice %max3A_316 {offsets = [0, 0], sizes = [64, 384], strides = [1, 1]} : vector<128x384xf32> to vector<64x384xf32>
    %slice3A_318 = vector.extract_strided_slice %max3A_316 {offsets = [64, 0], sizes = [64, 384], strides = [1, 1]} : vector<128x384xf32> to vector<64x384xf32>
    %max3A_319 = arith.maximumf %slice3A_317, %slice3A_318 : vector<64x384xf32>
    %slice3A_320 = vector.extract_strided_slice %max3A_319 {offsets = [0, 0], sizes = [32, 384], strides = [1, 1]} : vector<64x384xf32> to vector<32x384xf32>
    %slice3A_321 = vector.extract_strided_slice %max3A_319 {offsets = [32, 0], sizes = [32, 384], strides = [1, 1]} : vector<64x384xf32> to vector<32x384xf32>
    %max3A_322 = arith.maximumf %slice3A_320, %slice3A_321 : vector<32x384xf32>
    %slice3A_323 = vector.extract_strided_slice %max3A_322 {offsets = [0, 0], sizes = [16, 384], strides = [1, 1]} : vector<32x384xf32> to vector<16x384xf32>
    %slice3A_324 = vector.extract_strided_slice %max3A_322 {offsets = [16, 0], sizes = [16, 384], strides = [1, 1]} : vector<32x384xf32> to vector<16x384xf32>
    %max3A_325 = arith.maximumf %slice3A_323, %slice3A_324 : vector<16x384xf32>
    %slice3A_326 = vector.extract_strided_slice %max3A_325 {offsets = [0, 0], sizes = [8, 384], strides = [1, 1]} : vector<16x384xf32> to vector<8x384xf32>
    %slice3A_327 = vector.extract_strided_slice %max3A_325 {offsets = [8, 0], sizes = [8, 384], strides = [1, 1]} : vector<16x384xf32> to vector<8x384xf32>
    %max3A_328 = arith.maximumf %slice3A_326, %slice3A_327 : vector<8x384xf32>
    %reduce_max3A_329 = arith.constant dense<0xFF800000> : vector<384xf32>
    %reduce_max3A_330 = vector.multi_reduction <maximumf>, %max3A_328, %reduce_max3A_329 [0] : vector<8x384xf32> to vector<384xf32>
    %broadcast_in_dim3A_331 = vector.shape_cast %reduce_max3A_330 : vector<384xf32> to vector<1x384xf32>
    %slice3A_332 = vector.extract_strided_slice %select_n3A_307 {offsets = [0, 0], sizes = [512, 384], strides = [1, 1]} : vector<1024x384xf32> to vector<512x384xf32>
    %eq3A_333 = vector.broadcast %broadcast_in_dim3A_331 : vector<1x384xf32> to vector<512x384xf32>
    %eq3A_334 = arith.cmpf oeq, %slice3A_332, %eq3A_333 : vector<512x384xf32>
    %slice3A_335 = vector.extract_strided_slice %iota3A {offsets = [0, 0], sizes = [512, 384], strides = [1, 1]} : vector<1024x384xi32> to vector<512x384xi32>
    %jit3A_336 = arith.constant 1024 : i32
    %broadcast_in_dim3A_337 = vector.broadcast %jit3A_336 : i32 to vector<512x384xi32>
    %select_n3A_338 = arith.select %eq3A_334, %slice3A_335, %broadcast_in_dim3A_337 : vector<512x384xi1>, vector<512x384xi32>
    %slice3A_339 = vector.extract_strided_slice %select_n3A_307 {offsets = [512, 0], sizes = [512, 384], strides = [1, 1]} : vector<1024x384xf32> to vector<512x384xf32>
    %eq3A_340 = vector.broadcast %broadcast_in_dim3A_331 : vector<1x384xf32> to vector<512x384xf32>
    %eq3A_341 = arith.cmpf oeq, %slice3A_339, %eq3A_340 : vector<512x384xf32>
    %slice3A_342 = vector.extract_strided_slice %iota3A {offsets = [512, 0], sizes = [512, 384], strides = [1, 1]} : vector<1024x384xi32> to vector<512x384xi32>
    %jit3A_343 = arith.constant 1024 : i32
    %broadcast_in_dim3A_344 = vector.broadcast %jit3A_343 : i32 to vector<512x384xi32>
    %select_n3A_345 = arith.select %eq3A_341, %slice3A_342, %broadcast_in_dim3A_344 : vector<512x384xi1>, vector<512x384xi32>
    %min3A_346 = arith.minsi %select_n3A_338, %select_n3A_345 : vector<512x384xi32>
    %slice3A_347 = vector.extract_strided_slice %min3A_346 {offsets = [0, 0], sizes = [256, 384], strides = [1, 1]} : vector<512x384xi32> to vector<256x384xi32>
    %slice3A_348 = vector.extract_strided_slice %min3A_346 {offsets = [256, 0], sizes = [256, 384], strides = [1, 1]} : vector<512x384xi32> to vector<256x384xi32>
    %min3A_349 = arith.minsi %slice3A_347, %slice3A_348 : vector<256x384xi32>
    %slice3A_350 = vector.extract_strided_slice %min3A_349 {offsets = [0, 0], sizes = [128, 384], strides = [1, 1]} : vector<256x384xi32> to vector<128x384xi32>
    %slice3A_351 = vector.extract_strided_slice %min3A_349 {offsets = [128, 0], sizes = [128, 384], strides = [1, 1]} : vector<256x384xi32> to vector<128x384xi32>
    %min3A_352 = arith.minsi %slice3A_350, %slice3A_351 : vector<128x384xi32>
    %slice3A_353 = vector.extract_strided_slice %min3A_352 {offsets = [0, 0], sizes = [64, 384], strides = [1, 1]} : vector<128x384xi32> to vector<64x384xi32>
    %slice3A_354 = vector.extract_strided_slice %min3A_352 {offsets = [64, 0], sizes = [64, 384], strides = [1, 1]} : vector<128x384xi32> to vector<64x384xi32>
    %min3A_355 = arith.minsi %slice3A_353, %slice3A_354 : vector<64x384xi32>
    %slice3A_356 = vector.extract_strided_slice %min3A_355 {offsets = [0, 0], sizes = [32, 384], strides = [1, 1]} : vector<64x384xi32> to vector<32x384xi32>
    %slice3A_357 = vector.extract_strided_slice %min3A_355 {offsets = [32, 0], sizes = [32, 384], strides = [1, 1]} : vector<64x384xi32> to vector<32x384xi32>
    %min3A_358 = arith.minsi %slice3A_356, %slice3A_357 : vector<32x384xi32>
    %slice3A_359 = vector.extract_strided_slice %min3A_358 {offsets = [0, 0], sizes = [16, 384], strides = [1, 1]} : vector<32x384xi32> to vector<16x384xi32>
    %slice3A_360 = vector.extract_strided_slice %min3A_358 {offsets = [16, 0], sizes = [16, 384], strides = [1, 1]} : vector<32x384xi32> to vector<16x384xi32>
    %min3A_361 = arith.minsi %slice3A_359, %slice3A_360 : vector<16x384xi32>
    %slice3A_362 = vector.extract_strided_slice %min3A_361 {offsets = [0, 0], sizes = [8, 384], strides = [1, 1]} : vector<16x384xi32> to vector<8x384xi32>
    %slice3A_363 = vector.extract_strided_slice %min3A_361 {offsets = [8, 0], sizes = [8, 384], strides = [1, 1]} : vector<16x384xi32> to vector<8x384xi32>
    %min3A_364 = arith.minsi %slice3A_362, %slice3A_363 : vector<8x384xi32>
    %reduce_min3A_365 = arith.constant dense<2147483647> : vector<384xi32>
    %reduce_min3A_366 = vector.multi_reduction <minsi>, %min3A_364, %reduce_min3A_365 [0] : vector<8x384xi32> to vector<384xi32>
    %broadcast_in_dim3A_367 = vector.shape_cast %reduce_min3A_366 : vector<384xi32> to vector<1x384xi32>
    %squeeze3A_368 = vector.shape_cast %broadcast_in_dim3A_367 : vector<1x384xi32> to vector<384xi32>
    %swap3A_369 = arith.constant 0 : index
    %swap3A_370 = arith.constant 4 : index
    %swap3A_371 = arith.constant 0 : index
    %swap3A_372 = vector.load %arg5[%swap3A_369, %swap3A_370, %swap3A_371] : memref<1x8x384xi32, #tpu.memory_space<vmem>>, vector<1x1x384xi32>
    %swap3A_373 = vector.shape_cast %swap3A_372 : vector<1x1x384xi32> to vector<384xi32>
    %swap3A_374 = vector.shape_cast %squeeze3A_368 : vector<384xi32> to vector<1x1x384xi32>
    tpu.vector_store %arg5[%swap3A_369, %swap3A_370, %swap3A_371], %swap3A_374 {strides = array<i32>} : memref<1x8x384xi32, #tpu.memory_space<vmem>>, vector<1x1x384xi32>,
    %eq3A_375 = vector.broadcast %broadcast_in_dim3A_367 : vector<1x384xi32> to vector<1024x384xi32>
    %eq3A_376 = arith.cmpi eq, %iota3A, %eq3A_375 : vector<1024x384xi32>
    %jit3A_377 = arith.constant 0xFF800000 : f32
    %broadcast_in_dim3A_378 = vector.broadcast %jit3A_377 : f32 to vector<1024x384xf32>
    %select_n3A_379 = arith.select %eq3A_376, %broadcast_in_dim3A_378, %select_n3A_307 : vector<1024x384xi1>, vector<1024x384xf32>
    %slice3A_380 = vector.extract_strided_slice %select_n3A_379 {offsets = [0, 0], sizes = [512, 384], strides = [1, 1]} : vector<1024x384xf32> to vector<512x384xf32>
    %slice3A_381 = vector.extract_strided_slice %select_n3A_379 {offsets = [512, 0], sizes = [512, 384], strides = [1, 1]} : vector<1024x384xf32> to vector<512x384xf32>
    %max3A_382 = arith.maximumf %slice3A_380, %slice3A_381 : vector<512x384xf32>
    %slice3A_383 = vector.extract_strided_slice %max3A_382 {offsets = [0, 0], sizes = [256, 384], strides = [1, 1]} : vector<512x384xf32> to vector<256x384xf32>
    %slice3A_384 = vector.extract_strided_slice %max3A_382 {offsets = [256, 0], sizes = [256, 384], strides = [1, 1]} : vector<512x384xf32> to vector<256x384xf32>
    %max3A_385 = arith.maximumf %slice3A_383, %slice3A_384 : vector<256x384xf32>
    %slice3A_386 = vector.extract_strided_slice %max3A_385 {offsets = [0, 0], sizes = [128, 384], strides = [1, 1]} : vector<256x384xf32> to vector<128x384xf32>
    %slice3A_387 = vector.extract_strided_slice %max3A_385 {offsets = [128, 0], sizes = [128, 384], strides = [1, 1]} : vector<256x384xf32> to vector<128x384xf32>
    %max3A_388 = arith.maximumf %slice3A_386, %slice3A_387 : vector<128x384xf32>
    %slice3A_389 = vector.extract_strided_slice %max3A_388 {offsets = [0, 0], sizes = [64, 384], strides = [1, 1]} : vector<128x384xf32> to vector<64x384xf32>
    %slice3A_390 = vector.extract_strided_slice %max3A_388 {offsets = [64, 0], sizes = [64, 384], strides = [1, 1]} : vector<128x384xf32> to vector<64x384xf32>
    %max3A_391 = arith.maximumf %slice3A_389, %slice3A_390 : vector<64x384xf32>
    %slice3A_392 = vector.extract_strided_slice %max3A_391 {offsets = [0, 0], sizes = [32, 384], strides = [1, 1]} : vector<64x384xf32> to vector<32x384xf32>
    %slice3A_393 = vector.extract_strided_slice %max3A_391 {offsets = [32, 0], sizes = [32, 384], strides = [1, 1]} : vector<64x384xf32> to vector<32x384xf32>
    %max3A_394 = arith.maximumf %slice3A_392, %slice3A_393 : vector<32x384xf32>
    %slice3A_395 = vector.extract_strided_slice %max3A_394 {offsets = [0, 0], sizes = [16, 384], strides = [1, 1]} : vector<32x384xf32> to vector<16x384xf32>
    %slice3A_396 = vector.extract_strided_slice %max3A_394 {offsets = [16, 0], sizes = [16, 384], strides = [1, 1]} : vector<32x384xf32> to vector<16x384xf32>
    %max3A_397 = arith.maximumf %slice3A_395, %slice3A_396 : vector<16x384xf32>
    %slice3A_398 = vector.extract_strided_slice %max3A_397 {offsets = [0, 0], sizes = [8, 384], strides = [1, 1]} : vector<16x384xf32> to vector<8x384xf32>
    %slice3A_399 = vector.extract_strided_slice %max3A_397 {offsets = [8, 0], sizes = [8, 384], strides = [1, 1]} : vector<16x384xf32> to vector<8x384xf32>
    %max3A_400 = arith.maximumf %slice3A_398, %slice3A_399 : vector<8x384xf32>
    %reduce_max3A_401 = arith.constant dense<0xFF800000> : vector<384xf32>
    %reduce_max3A_402 = vector.multi_reduction <maximumf>, %max3A_400, %reduce_max3A_401 [0] : vector<8x384xf32> to vector<384xf32>
    %broadcast_in_dim3A_403 = vector.shape_cast %reduce_max3A_402 : vector<384xf32> to vector<1x384xf32>
    %slice3A_404 = vector.extract_strided_slice %select_n3A_379 {offsets = [0, 0], sizes = [512, 384], strides = [1, 1]} : vector<1024x384xf32> to vector<512x384xf32>
    %eq3A_405 = vector.broadcast %broadcast_in_dim3A_403 : vector<1x384xf32> to vector<512x384xf32>
    %eq3A_406 = arith.cmpf oeq, %slice3A_404, %eq3A_405 : vector<512x384xf32>
    %slice3A_407 = vector.extract_strided_slice %iota3A {offsets = [0, 0], sizes = [512, 384], strides = [1, 1]} : vector<1024x384xi32> to vector<512x384xi32>
    %jit3A_408 = arith.constant 1024 : i32
    %broadcast_in_dim3A_409 = vector.broadcast %jit3A_408 : i32 to vector<512x384xi32>
    %select_n3A_410 = arith.select %eq3A_406, %slice3A_407, %broadcast_in_dim3A_409 : vector<512x384xi1>, vector<512x384xi32>
    %slice3A_411 = vector.extract_strided_slice %select_n3A_379 {offsets = [512, 0], sizes = [512, 384], strides = [1, 1]} : vector<1024x384xf32> to vector<512x384xf32>
    %eq3A_412 = vector.broadcast %broadcast_in_dim3A_403 : vector<1x384xf32> to vector<512x384xf32>
    %eq3A_413 = arith.cmpf oeq, %slice3A_411, %eq3A_412 : vector<512x384xf32>
    %slice3A_414 = vector.extract_strided_slice %iota3A {offsets = [512, 0], sizes = [512, 384], strides = [1, 1]} : vector<1024x384xi32> to vector<512x384xi32>
    %jit3A_415 = arith.constant 1024 : i32
    %broadcast_in_dim3A_416 = vector.broadcast %jit3A_415 : i32 to vector<512x384xi32>
    %select_n3A_417 = arith.select %eq3A_413, %slice3A_414, %broadcast_in_dim3A_416 : vector<512x384xi1>, vector<512x384xi32>
    %min3A_418 = arith.minsi %select_n3A_410, %select_n3A_417 : vector<512x384xi32>
    %slice3A_419 = vector.extract_strided_slice %min3A_418 {offsets = [0, 0], sizes = [256, 384], strides = [1, 1]} : vector<512x384xi32> to vector<256x384xi32>
    %slice3A_420 = vector.extract_strided_slice %min3A_418 {offsets = [256, 0], sizes = [256, 384], strides = [1, 1]} : vector<512x384xi32> to vector<256x384xi32>
    %min3A_421 = arith.minsi %slice3A_419, %slice3A_420 : vector<256x384xi32>
    %slice3A_422 = vector.extract_strided_slice %min3A_421 {offsets = [0, 0], sizes = [128, 384], strides = [1, 1]} : vector<256x384xi32> to vector<128x384xi32>
    %slice3A_423 = vector.extract_strided_slice %min3A_421 {offsets = [128, 0], sizes = [128, 384], strides = [1, 1]} : vector<256x384xi32> to vector<128x384xi32>
    %min3A_424 = arith.minsi %slice3A_422, %slice3A_423 : vector<128x384xi32>
    %slice3A_425 = vector.extract_strided_slice %min3A_424 {offsets = [0, 0], sizes = [64, 384], strides = [1, 1]} : vector<128x384xi32> to vector<64x384xi32>
    %slice3A_426 = vector.extract_strided_slice %min3A_424 {offsets = [64, 0], sizes = [64, 384], strides = [1, 1]} : vector<128x384xi32> to vector<64x384xi32>
    %min3A_427 = arith.minsi %slice3A_425, %slice3A_426 : vector<64x384xi32>
    %slice3A_428 = vector.extract_strided_slice %min3A_427 {offsets = [0, 0], sizes = [32, 384], strides = [1, 1]} : vector<64x384xi32> to vector<32x384xi32>
    %slice3A_429 = vector.extract_strided_slice %min3A_427 {offsets = [32, 0], sizes = [32, 384], strides = [1, 1]} : vector<64x384xi32> to vector<32x384xi32>
    %min3A_430 = arith.minsi %slice3A_428, %slice3A_429 : vector<32x384xi32>
    %slice3A_431 = vector.extract_strided_slice %min3A_430 {offsets = [0, 0], sizes = [16, 384], strides = [1, 1]} : vector<32x384xi32> to vector<16x384xi32>
    %slice3A_432 = vector.extract_strided_slice %min3A_430 {offsets = [16, 0], sizes = [16, 384], strides = [1, 1]} : vector<32x384xi32> to vector<16x384xi32>
    %min3A_433 = arith.minsi %slice3A_431, %slice3A_432 : vector<16x384xi32>
    %slice3A_434 = vector.extract_strided_slice %min3A_433 {offsets = [0, 0], sizes = [8, 384], strides = [1, 1]} : vector<16x384xi32> to vector<8x384xi32>
    %slice3A_435 = vector.extract_strided_slice %min3A_433 {offsets = [8, 0], sizes = [8, 384], strides = [1, 1]} : vector<16x384xi32> to vector<8x384xi32>
    %min3A_436 = arith.minsi %slice3A_434, %slice3A_435 : vector<8x384xi32>
    %reduce_min3A_437 = arith.constant dense<2147483647> : vector<384xi32>
    %reduce_min3A_438 = vector.multi_reduction <minsi>, %min3A_436, %reduce_min3A_437 [0] : vector<8x384xi32> to vector<384xi32>
    %broadcast_in_dim3A_439 = vector.shape_cast %reduce_min3A_438 : vector<384xi32> to vector<1x384xi32>
    %squeeze3A_440 = vector.shape_cast %broadcast_in_dim3A_439 : vector<1x384xi32> to vector<384xi32>
    %swap3A_441 = arith.constant 0 : index
    %swap3A_442 = arith.constant 5 : index
    %swap3A_443 = arith.constant 0 : index
    %swap3A_444 = vector.load %arg5[%swap3A_441, %swap3A_442, %swap3A_443] : memref<1x8x384xi32, #tpu.memory_space<vmem>>, vector<1x1x384xi32>
    %swap3A_445 = vector.shape_cast %swap3A_444 : vector<1x1x384xi32> to vector<384xi32>
    %swap3A_446 = vector.shape_cast %squeeze3A_440 : vector<384xi32> to vector<1x1x384xi32>
    tpu.vector_store %arg5[%swap3A_441, %swap3A_442, %swap3A_443], %swap3A_446 {strides = array<i32>} : memref<1x8x384xi32, #tpu.memory_space<vmem>>, vector<1x1x384xi32>,
    %eq3A_447 = vector.broadcast %broadcast_in_dim3A_439 : vector<1x384xi32> to vector<1024x384xi32>
    %eq3A_448 = arith.cmpi eq, %iota3A, %eq3A_447 : vector<1024x384xi32>
    %jit3A_449 = arith.constant 0xFF800000 : f32
    %broadcast_in_dim3A_450 = vector.broadcast %jit3A_449 : f32 to vector<1024x384xf32>
    %select_n3A_451 = arith.select %eq3A_448, %broadcast_in_dim3A_450, %select_n3A_379 : vector<1024x384xi1>, vector<1024x384xf32>
    %slice3A_452 = vector.extract_strided_slice %select_n3A_451 {offsets = [0, 0], sizes = [512, 384], strides = [1, 1]} : vector<1024x384xf32> to vector<512x384xf32>
    %slice3A_453 = vector.extract_strided_slice %select_n3A_451 {offsets = [512, 0], sizes = [512, 384], strides = [1, 1]} : vector<1024x384xf32> to vector<512x384xf32>
    %max3A_454 = arith.maximumf %slice3A_452, %slice3A_453 : vector<512x384xf32>
    %slice3A_455 = vector.extract_strided_slice %max3A_454 {offsets = [0, 0], sizes = [256, 384], strides = [1, 1]} : vector<512x384xf32> to vector<256x384xf32>
    %slice3A_456 = vector.extract_strided_slice %max3A_454 {offsets = [256, 0], sizes = [256, 384], strides = [1, 1]} : vector<512x384xf32> to vector<256x384xf32>
    %max3A_457 = arith.maximumf %slice3A_455, %slice3A_456 : vector<256x384xf32>
    %slice3A_458 = vector.extract_strided_slice %max3A_457 {offsets = [0, 0], sizes = [128, 384], strides = [1, 1]} : vector<256x384xf32> to vector<128x384xf32>
    %slice3A_459 = vector.extract_strided_slice %max3A_457 {offsets = [128, 0], sizes = [128, 384], strides = [1, 1]} : vector<256x384xf32> to vector<128x384xf32>
    %max3A_460 = arith.maximumf %slice3A_458, %slice3A_459 : vector<128x384xf32>
    %slice3A_461 = vector.extract_strided_slice %max3A_460 {offsets = [0, 0], sizes = [64, 384], strides = [1, 1]} : vector<128x384xf32> to vector<64x384xf32>
    %slice3A_462 = vector.extract_strided_slice %max3A_460 {offsets = [64, 0], sizes = [64, 384], strides = [1, 1]} : vector<128x384xf32> to vector<64x384xf32>
    %max3A_463 = arith.maximumf %slice3A_461, %slice3A_462 : vector<64x384xf32>
    %slice3A_464 = vector.extract_strided_slice %max3A_463 {offsets = [0, 0], sizes = [32, 384], strides = [1, 1]} : vector<64x384xf32> to vector<32x384xf32>
    %slice3A_465 = vector.extract_strided_slice %max3A_463 {offsets = [32, 0], sizes = [32, 384], strides = [1, 1]} : vector<64x384xf32> to vector<32x384xf32>
    %max3A_466 = arith.maximumf %slice3A_464, %slice3A_465 : vector<32x384xf32>
    %slice3A_467 = vector.extract_strided_slice %max3A_466 {offsets = [0, 0], sizes = [16, 384], strides = [1, 1]} : vector<32x384xf32> to vector<16x384xf32>
    %slice3A_468 = vector.extract_strided_slice %max3A_466 {offsets = [16, 0], sizes = [16, 384], strides = [1, 1]} : vector<32x384xf32> to vector<16x384xf32>
    %max3A_469 = arith.maximumf %slice3A_467, %slice3A_468 : vector<16x384xf32>
    %slice3A_470 = vector.extract_strided_slice %max3A_469 {offsets = [0, 0], sizes = [8, 384], strides = [1, 1]} : vector<16x384xf32> to vector<8x384xf32>
    %slice3A_471 = vector.extract_strided_slice %max3A_469 {offsets = [8, 0], sizes = [8, 384], strides = [1, 1]} : vector<16x384xf32> to vector<8x384xf32>
    %max3A_472 = arith.maximumf %slice3A_470, %slice3A_471 : vector<8x384xf32>
    %reduce_max3A_473 = arith.constant dense<0xFF800000> : vector<384xf32>
    %reduce_max3A_474 = vector.multi_reduction <maximumf>, %max3A_472, %reduce_max3A_473 [0] : vector<8x384xf32> to vector<384xf32>
    %broadcast_in_dim3A_475 = vector.shape_cast %reduce_max3A_474 : vector<384xf32> to vector<1x384xf32>
    %slice3A_476 = vector.extract_strided_slice %select_n3A_451 {offsets = [0, 0], sizes = [512, 384], strides = [1, 1]} : vector<1024x384xf32> to vector<512x384xf32>
    %eq3A_477 = vector.broadcast %broadcast_in_dim3A_475 : vector<1x384xf32> to vector<512x384xf32>
    %eq3A_478 = arith.cmpf oeq, %slice3A_476, %eq3A_477 : vector<512x384xf32>
    %slice3A_479 = vector.extract_strided_slice %iota3A {offsets = [0, 0], sizes = [512, 384], strides = [1, 1]} : vector<1024x384xi32> to vector<512x384xi32>
    %jit3A_480 = arith.constant 1024 : i32
    %broadcast_in_dim3A_481 = vector.broadcast %jit3A_480 : i32 to vector<512x384xi32>
    %select_n3A_482 = arith.select %eq3A_478, %slice3A_479, %broadcast_in_dim3A_481 : vector<512x384xi1>, vector<512x384xi32>
    %slice3A_483 = vector.extract_strided_slice %select_n3A_451 {offsets = [512, 0], sizes = [512, 384], strides = [1, 1]} : vector<1024x384xf32> to vector<512x384xf32>
    %eq3A_484 = vector.broadcast %broadcast_in_dim3A_475 : vector<1x384xf32> to vector<512x384xf32>
    %eq3A_485 = arith.cmpf oeq, %slice3A_483, %eq3A_484 : vector<512x384xf32>
    %slice3A_486 = vector.extract_strided_slice %iota3A {offsets = [512, 0], sizes = [512, 384], strides = [1, 1]} : vector<1024x384xi32> to vector<512x384xi32>
    %jit3A_487 = arith.constant 1024 : i32
    %broadcast_in_dim3A_488 = vector.broadcast %jit3A_487 : i32 to vector<512x384xi32>
    %select_n3A_489 = arith.select %eq3A_485, %slice3A_486, %broadcast_in_dim3A_488 : vector<512x384xi1>, vector<512x384xi32>
    %min3A_490 = arith.minsi %select_n3A_482, %select_n3A_489 : vector<512x384xi32>
    %slice3A_491 = vector.extract_strided_slice %min3A_490 {offsets = [0, 0], sizes = [256, 384], strides = [1, 1]} : vector<512x384xi32> to vector<256x384xi32>
    %slice3A_492 = vector.extract_strided_slice %min3A_490 {offsets = [256, 0], sizes = [256, 384], strides = [1, 1]} : vector<512x384xi32> to vector<256x384xi32>
    %min3A_493 = arith.minsi %slice3A_491, %slice3A_492 : vector<256x384xi32>
    %slice3A_494 = vector.extract_strided_slice %min3A_493 {offsets = [0, 0], sizes = [128, 384], strides = [1, 1]} : vector<256x384xi32> to vector<128x384xi32>
    %slice3A_495 = vector.extract_strided_slice %min3A_493 {offsets = [128, 0], sizes = [128, 384], strides = [1, 1]} : vector<256x384xi32> to vector<128x384xi32>
    %min3A_496 = arith.minsi %slice3A_494, %slice3A_495 : vector<128x384xi32>
    %slice3A_497 = vector.extract_strided_slice %min3A_496 {offsets = [0, 0], sizes = [64, 384], strides = [1, 1]} : vector<128x384xi32> to vector<64x384xi32>
    %slice3A_498 = vector.extract_strided_slice %min3A_496 {offsets = [64, 0], sizes = [64, 384], strides = [1, 1]} : vector<128x384xi32> to vector<64x384xi32>
    %min3A_499 = arith.minsi %slice3A_497, %slice3A_498 : vector<64x384xi32>
    %slice3A_500 = vector.extract_strided_slice %min3A_499 {offsets = [0, 0], sizes = [32, 384], strides = [1, 1]} : vector<64x384xi32> to vector<32x384xi32>
    %slice3A_501 = vector.extract_strided_slice %min3A_499 {offsets = [32, 0], sizes = [32, 384], strides = [1, 1]} : vector<64x384xi32> to vector<32x384xi32>
    %min3A_502 = arith.minsi %slice3A_500, %slice3A_501 : vector<32x384xi32>
    %slice3A_503 = vector.extract_strided_slice %min3A_502 {offsets = [0, 0], sizes = [16, 384], strides = [1, 1]} : vector<32x384xi32> to vector<16x384xi32>
    %slice3A_504 = vector.extract_strided_slice %min3A_502 {offsets = [16, 0], sizes = [16, 384], strides = [1, 1]} : vector<32x384xi32> to vector<16x384xi32>
    %min3A_505 = arith.minsi %slice3A_503, %slice3A_504 : vector<16x384xi32>
    %slice3A_506 = vector.extract_strided_slice %min3A_505 {offsets = [0, 0], sizes = [8, 384], strides = [1, 1]} : vector<16x384xi32> to vector<8x384xi32>
    %slice3A_507 = vector.extract_strided_slice %min3A_505 {offsets = [8, 0], sizes = [8, 384], strides = [1, 1]} : vector<16x384xi32> to vector<8x384xi32>
    %min3A_508 = arith.minsi %slice3A_506, %slice3A_507 : vector<8x384xi32>
    %reduce_min3A_509 = arith.constant dense<2147483647> : vector<384xi32>
    %reduce_min3A_510 = vector.multi_reduction <minsi>, %min3A_508, %reduce_min3A_509 [0] : vector<8x384xi32> to vector<384xi32>
    %broadcast_in_dim3A_511 = vector.shape_cast %reduce_min3A_510 : vector<384xi32> to vector<1x384xi32>
    %squeeze3A_512 = vector.shape_cast %broadcast_in_dim3A_511 : vector<1x384xi32> to vector<384xi32>
    %swap3A_513 = arith.constant 0 : index
    %swap3A_514 = arith.constant 6 : index
    %swap3A_515 = arith.constant 0 : index
    %swap3A_516 = vector.load %arg5[%swap3A_513, %swap3A_514, %swap3A_515] : memref<1x8x384xi32, #tpu.memory_space<vmem>>, vector<1x1x384xi32>
    %swap3A_517 = vector.shape_cast %swap3A_516 : vector<1x1x384xi32> to vector<384xi32>
    %swap3A_518 = vector.shape_cast %squeeze3A_512 : vector<384xi32> to vector<1x1x384xi32>
    tpu.vector_store %arg5[%swap3A_513, %swap3A_514, %swap3A_515], %swap3A_518 {strides = array<i32>} : memref<1x8x384xi32, #tpu.memory_space<vmem>>, vector<1x1x384xi32>,
    %eq3A_519 = vector.broadcast %broadcast_in_dim3A_511 : vector<1x384xi32> to vector<1024x384xi32>
    %eq3A_520 = arith.cmpi eq, %iota3A, %eq3A_519 : vector<1024x384xi32>
    %jit3A_521 = arith.constant 0xFF800000 : f32
    %broadcast_in_dim3A_522 = vector.broadcast %jit3A_521 : f32 to vector<1024x384xf32>
    %select_n3A_523 = arith.select %eq3A_520, %broadcast_in_dim3A_522, %select_n3A_451 : vector<1024x384xi1>, vector<1024x384xf32>
    %slice3A_524 = vector.extract_strided_slice %select_n3A_523 {offsets = [0, 0], sizes = [512, 384], strides = [1, 1]} : vector<1024x384xf32> to vector<512x384xf32>
    %slice3A_525 = vector.extract_strided_slice %select_n3A_523 {offsets = [512, 0], sizes = [512, 384], strides = [1, 1]} : vector<1024x384xf32> to vector<512x384xf32>
    %max3A_526 = arith.maximumf %slice3A_524, %slice3A_525 : vector<512x384xf32>
    %slice3A_527 = vector.extract_strided_slice %max3A_526 {offsets = [0, 0], sizes = [256, 384], strides = [1, 1]} : vector<512x384xf32> to vector<256x384xf32>
    %slice3A_528 = vector.extract_strided_slice %max3A_526 {offsets = [256, 0], sizes = [256, 384], strides = [1, 1]} : vector<512x384xf32> to vector<256x384xf32>
    %max3A_529 = arith.maximumf %slice3A_527, %slice3A_528 : vector<256x384xf32>
    %slice3A_530 = vector.extract_strided_slice %max3A_529 {offsets = [0, 0], sizes = [128, 384], strides = [1, 1]} : vector<256x384xf32> to vector<128x384xf32>
    %slice3A_531 = vector.extract_strided_slice %max3A_529 {offsets = [128, 0], sizes = [128, 384], strides = [1, 1]} : vector<256x384xf32> to vector<128x384xf32>
    %max3A_532 = arith.maximumf %slice3A_530, %slice3A_531 : vector<128x384xf32>
    %slice3A_533 = vector.extract_strided_slice %max3A_532 {offsets = [0, 0], sizes = [64, 384], strides = [1, 1]} : vector<128x384xf32> to vector<64x384xf32>
    %slice3A_534 = vector.extract_strided_slice %max3A_532 {offsets = [64, 0], sizes = [64, 384], strides = [1, 1]} : vector<128x384xf32> to vector<64x384xf32>
    %max3A_535 = arith.maximumf %slice3A_533, %slice3A_534 : vector<64x384xf32>
    %slice3A_536 = vector.extract_strided_slice %max3A_535 {offsets = [0, 0], sizes = [32, 384], strides = [1, 1]} : vector<64x384xf32> to vector<32x384xf32>
    %slice3A_537 = vector.extract_strided_slice %max3A_535 {offsets = [32, 0], sizes = [32, 384], strides = [1, 1]} : vector<64x384xf32> to vector<32x384xf32>
    %max3A_538 = arith.maximumf %slice3A_536, %slice3A_537 : vector<32x384xf32>
    %slice3A_539 = vector.extract_strided_slice %max3A_538 {offsets = [0, 0], sizes = [16, 384], strides = [1, 1]} : vector<32x384xf32> to vector<16x384xf32>
    %slice3A_540 = vector.extract_strided_slice %max3A_538 {offsets = [16, 0], sizes = [16, 384], strides = [1, 1]} : vector<32x384xf32> to vector<16x384xf32>
    %max3A_541 = arith.maximumf %slice3A_539, %slice3A_540 : vector<16x384xf32>
    %slice3A_542 = vector.extract_strided_slice %max3A_541 {offsets = [0, 0], sizes = [8, 384], strides = [1, 1]} : vector<16x384xf32> to vector<8x384xf32>
    %slice3A_543 = vector.extract_strided_slice %max3A_541 {offsets = [8, 0], sizes = [8, 384], strides = [1, 1]} : vector<16x384xf32> to vector<8x384xf32>
    %max3A_544 = arith.maximumf %slice3A_542, %slice3A_543 : vector<8x384xf32>
    %reduce_max3A_545 = arith.constant dense<0xFF800000> : vector<384xf32>
    %reduce_max3A_546 = vector.multi_reduction <maximumf>, %max3A_544, %reduce_max3A_545 [0] : vector<8x384xf32> to vector<384xf32>
    %broadcast_in_dim3A_547 = vector.shape_cast %reduce_max3A_546 : vector<384xf32> to vector<1x384xf32>
    %slice3A_548 = vector.extract_strided_slice %select_n3A_523 {offsets = [0, 0], sizes = [512, 384], strides = [1, 1]} : vector<1024x384xf32> to vector<512x384xf32>
    %eq3A_549 = vector.broadcast %broadcast_in_dim3A_547 : vector<1x384xf32> to vector<512x384xf32>
    %eq3A_550 = arith.cmpf oeq, %slice3A_548, %eq3A_549 : vector<512x384xf32>
    %slice3A_551 = vector.extract_strided_slice %iota3A {offsets = [0, 0], sizes = [512, 384], strides = [1, 1]} : vector<1024x384xi32> to vector<512x384xi32>
    %jit3A_552 = arith.constant 1024 : i32
    %broadcast_in_dim3A_553 = vector.broadcast %jit3A_552 : i32 to vector<512x384xi32>
    %select_n3A_554 = arith.select %eq3A_550, %slice3A_551, %broadcast_in_dim3A_553 : vector<512x384xi1>, vector<512x384xi32>
    %slice3A_555 = vector.extract_strided_slice %select_n3A_523 {offsets = [512, 0], sizes = [512, 384], strides = [1, 1]} : vector<1024x384xf32> to vector<512x384xf32>
    %eq3A_556 = vector.broadcast %broadcast_in_dim3A_547 : vector<1x384xf32> to vector<512x384xf32>
    %eq3A_557 = arith.cmpf oeq, %slice3A_555, %eq3A_556 : vector<512x384xf32>
    %slice3A_558 = vector.extract_strided_slice %iota3A {offsets = [512, 0], sizes = [512, 384], strides = [1, 1]} : vector<1024x384xi32> to vector<512x384xi32>
    %jit3A_559 = arith.constant 1024 : i32
    %broadcast_in_dim3A_560 = vector.broadcast %jit3A_559 : i32 to vector<512x384xi32>
    %select_n3A_561 = arith.select %eq3A_557, %slice3A_558, %broadcast_in_dim3A_560 : vector<512x384xi1>, vector<512x384xi32>
    %min3A_562 = arith.minsi %select_n3A_554, %select_n3A_561 : vector<512x384xi32>
    %slice3A_563 = vector.extract_strided_slice %min3A_562 {offsets = [0, 0], sizes = [256, 384], strides = [1, 1]} : vector<512x384xi32> to vector<256x384xi32>
    %slice3A_564 = vector.extract_strided_slice %min3A_562 {offsets = [256, 0], sizes = [256, 384], strides = [1, 1]} : vector<512x384xi32> to vector<256x384xi32>
    %min3A_565 = arith.minsi %slice3A_563, %slice3A_564 : vector<256x384xi32>
    %slice3A_566 = vector.extract_strided_slice %min3A_565 {offsets = [0, 0], sizes = [128, 384], strides = [1, 1]} : vector<256x384xi32> to vector<128x384xi32>
    %slice3A_567 = vector.extract_strided_slice %min3A_565 {offsets = [128, 0], sizes = [128, 384], strides = [1, 1]} : vector<256x384xi32> to vector<128x384xi32>
    %min3A_568 = arith.minsi %slice3A_566, %slice3A_567 : vector<128x384xi32>
    %slice3A_569 = vector.extract_strided_slice %min3A_568 {offsets = [0, 0], sizes = [64, 384], strides = [1, 1]} : vector<128x384xi32> to vector<64x384xi32>
    %slice3A_570 = vector.extract_strided_slice %min3A_568 {offsets = [64, 0], sizes = [64, 384], strides = [1, 1]} : vector<128x384xi32> to vector<64x384xi32>
    %min3A_571 = arith.minsi %slice3A_569, %slice3A_570 : vector<64x384xi32>
    %slice3A_572 = vector.extract_strided_slice %min3A_571 {offsets = [0, 0], sizes = [32, 384], strides = [1, 1]} : vector<64x384xi32> to vector<32x384xi32>
    %slice3A_573 = vector.extract_strided_slice %min3A_571 {offsets = [32, 0], sizes = [32, 384], strides = [1, 1]} : vector<64x384xi32> to vector<32x384xi32>
    %min3A_574 = arith.minsi %slice3A_572, %slice3A_573 : vector<32x384xi32>
    %slice3A_575 = vector.extract_strided_slice %min3A_574 {offsets = [0, 0], sizes = [16, 384], strides = [1, 1]} : vector<32x384xi32> to vector<16x384xi32>
    %slice3A_576 = vector.extract_strided_slice %min3A_574 {offsets = [16, 0], sizes = [16, 384], strides = [1, 1]} : vector<32x384xi32> to vector<16x384xi32>
    %min3A_577 = arith.minsi %slice3A_575, %slice3A_576 : vector<16x384xi32>
    %slice3A_578 = vector.extract_strided_slice %min3A_577 {offsets = [0, 0], sizes = [8, 384], strides = [1, 1]} : vector<16x384xi32> to vector<8x384xi32>
    %slice3A_579 = vector.extract_strided_slice %min3A_577 {offsets = [8, 0], sizes = [8, 384], strides = [1, 1]} : vector<16x384xi32> to vector<8x384xi32>
    %min3A_580 = arith.minsi %slice3A_578, %slice3A_579 : vector<8x384xi32>
    %reduce_min3A_581 = arith.constant dense<2147483647> : vector<384xi32>
    %reduce_min3A_582 = vector.multi_reduction <minsi>, %min3A_580, %reduce_min3A_581 [0] : vector<8x384xi32> to vector<384xi32>
    %broadcast_in_dim3A_583 = vector.shape_cast %reduce_min3A_582 : vector<384xi32> to vector<1x384xi32>
    %squeeze3A_584 = vector.shape_cast %broadcast_in_dim3A_583 : vector<1x384xi32> to vector<384xi32>
    %swap3A_585 = arith.constant 0 : index
    %swap3A_586 = arith.constant 7 : index
    %swap3A_587 = arith.constant 0 : index
    %swap3A_588 = vector.load %arg5[%swap3A_585, %swap3A_586, %swap3A_587] : memref<1x8x384xi32, #tpu.memory_space<vmem>>, vector<1x1x384xi32>
    %swap3A_589 = vector.shape_cast %swap3A_588 : vector<1x1x384xi32> to vector<384xi32>
    %swap3A_590 = vector.shape_cast %squeeze3A_584 : vector<384xi32> to vector<1x1x384xi32>
    tpu.vector_store %arg5[%swap3A_585, %swap3A_586, %swap3A_587], %swap3A_590 {strides = array<i32>} : memref<1x8x384xi32, #tpu.memory_space<vmem>>, vector<1x1x384xi32>,
    %eq3A_591 = arith.constant 0xFF800000 : f32
    %eq3A_592 = vector.broadcast %eq3A_591 : f32 to vector<1024x384xf32>
    %eq3A_593 = arith.cmpf oeq, %select_n3A_523, %eq3A_592 : vector<1024x384xf32>
    %eq3A_594 = vector.broadcast %broadcast_in_dim3A_583 : vector<1x384xi32> to vector<1024x384xi32>
    %eq3A_595 = arith.cmpi eq, %iota3A, %eq3A_594 : vector<1024x384xi32>
    %or3A = arith.ori %eq3A_593, %eq3A_595 : vector<1024x384xi1>
    %jit3A_596 = arith.constant 0.000000e+00 : f32
    %broadcast_in_dim3A_597 = vector.broadcast %jit3A_596 : f32 to vector<1024x384xf32>
    %select_n3A_598 = arith.select %or3A, %get3A_12, %broadcast_in_dim3A_597 : vector<1024x384xi1>, vector<1024x384xf32>
    %reduce_sum3A = arith.constant dense<0.000000e+00> : vector<384xf32>
    %reduce_sum3A_599 = vector.multi_reduction <add>, %select_n3A_598, %reduce_sum3A [0] : vector<1024x384xf32> to vector<384xf32>
    %mul3A = arith.constant 1.250000e-01 : f32
    %mul3A_600 = vector.broadcast %mul3A : f32 to vector<384xf32>
    %mul3A_601 = arith.mulf %reduce_sum3A_599, %mul3A_600 : vector<384xf32>
    %swap3A_602 = arith.constant 0 : index
    %swap3A_603 = arith.constant 0 : index
    %swap3A_604 = arith.constant 0 : index
    %swap3A_605 = vector.load %arg4[%swap3A_602, %swap3A_603, %swap3A_604] : memref<1x1x384xf32, #tpu.memory_space<vmem>>, vector<1x1x384xf32>
    %swap3A_606 = vector.shape_cast %swap3A_605 : vector<1x1x384xf32> to vector<384xf32>
    %swap3A_607 = vector.shape_cast %mul3A_601 : vector<384xf32> to vector<1x1x384xf32>
    tpu.vector_store %arg4[%swap3A_602, %swap3A_603, %swap3A_604], %swap3A_607 {strides = array<i32>} : memref<1x1x384xf32, #tpu.memory_space<vmem>>, vector<1x1x384xf32>,
    return
  }
  func.func @transform_0(%arg0: i32) -> (i32, i32, i32) {
    %min3A = arith.constant 63 : i32
    %min3A_0 = arith.minsi %arg0, %min3A : i32
    %c0_i32 = arith.constant 0 : i32
    %c0_i32_1 = arith.constant 0 : i32
    %c0_i32_2 = arith.constant 0 : i32
    return %min3A_0, %c0_i32, %c0_i32_1 : i32, i32, i32
  }
  func.func @transform_1(%arg0: i32) -> (i32, i32, i32) {
    %sub3A = arith.constant 1 : i32
    %sub3A_0 = arith.subi %arg0, %sub3A : i32
    %max3A = arith.constant 0 : i32
    %max3A_1 = arith.maxsi %sub3A_0, %max3A : i32
    %c0_i32 = arith.constant 0 : i32
    %c0_i32_2 = arith.constant 0 : i32
    %c0_i32_3 = arith.constant 0 : i32
    return %max3A_1, %c0_i32, %c0_i32_2 : i32, i32, i32
  }
  func.func @transform_2(%arg0: i32) -> (i32, i32) {
    %c0_i32 = arith.constant 0 : i32
    %c0_i32_0 = arith.constant 0 : i32
    %c0_i32_1 = arith.constant 0 : i32
    return %c0_i32, %c0_i32_0 : i32, i32
  }
  func.func @transform_3(%arg0: i32) -> (i32, i32, i32) {
    %sub3A = arith.constant 1 : i32
    %sub3A_0 = arith.subi %arg0, %sub3A : i32
    %max3A = arith.constant 0 : i32
    %max3A_1 = arith.maxsi %sub3A_0, %max3A : i32
    %c0_i32 = arith.constant 0 : i32
    %c0_i32_2 = arith.constant 0 : i32
    %c0_i32_3 = arith.constant 0 : i32
    return %max3A_1, %c0_i32, %c0_i32_2 : i32, i32, i32
  }
  func.func @transform_4(%arg0: i32) -> (i32, i32, i32) {
    %sub3A = arith.constant 1 : i32
    %sub3A_0 = arith.subi %arg0, %sub3A : i32
    %max3A = arith.constant 0 : i32
    %max3A_1 = arith.maxsi %sub3A_0, %max3A : i32
    %c0_i32 = arith.constant 0 : i32
    %c0_i32_2 = arith.constant 0 : i32
    %c0_i32_3 = arith.constant 0 : i32
    return %max3A_1, %c0_i32, %c0_i32_2 : i32, i32, i32
  }
}

</mosaic_0001>

<sc_bundles>
// kernel: kernel.4.cloned.1.call-start
scs
__scs_entry_jumppad:
0x0: {  	(pc) =	sbr.rel $0x88, $3  }
0x1: {  	(tag) =	ssettag $0x0;
	lr =	simm.s32 $0x1  }
0x2: {  	[smem:$0x3FA0] =	sst lr;
	_ =	strace $0xD0000000  }
0x3: {  	_ = 	snop  }
0x4: {  	_ = 	snop  }
0x5: {  	_ = 	snop  }
0x6: {  	_ = 	snop  }
0x7: {  	_ = 	snop  }
__scs_overlays_trampoline_lowered:
0x8: {  	[smem:$0x3FAF] =	sst s0  }
0x9: {  	[smem:$0x3FB0] =	sst s1  }
0xa: {  	[smem:$0x3FB1] =	sst s2  }
0xb: {  	[smem:$0x3FB2] =	sst s3  }
0xc: {  	[smem:$0x3FB3] =	sst s4  }
0xd: {  	[smem:$0x3FB4] =	sst s5  }
0xe: {  	[smem:$0x3FB5] =	sst s6  }
0xf: {  	[smem:$0x3FB6] =	sst s7  }
0x10: {  	[smem:$0x3FB7] =	sst s8  }
0x11: {  	[smem:$0x3FB8] =	sst s9;
	s0 =	simm.s32 @!p0 $0x0  }
0x12: {  	s1 =	sld [smem:$0x3F9E];
	s0 =	simm.s32 @p0 $0x1  }
0x13: {  	[smem:$0x3FB9] =	sst s0;
	s0 =	simm.s32 @!p1 $0x0  }
0x14: {  	s2 =	sld [smem:$0x3F9D];
	s0 =	simm.s32 @p1 $0x1  }
0x15: {  	[smem:$0x3FBA] =	sst s0;
	s0 =	simm.s32 @!p2 $0x0  }
0x16: {  	s3 =	sld [smem:$0x3FDB];
	s0 =	simm.s32 @p2 $0x1  }
0x17: {  	s4 =	simm.s32 $0x1BF5;
	[smem:$0x3FBC] =	sst s0  }
0x18: {  	s0 =	sld [smem:$0x3F9F];
	_ =	swait.ge [sflag:s4], $0x0  }
0x19: {  	s7 =	sld [smem:$0x3FA0]  }
0x1a: {  	s8 =	sadd.s32 $0xFFFFE003, lr  }
0x1b: {  	s9 =	sadd.s32 $0xFFFFFEF7, lr;
	s5 =	simm.s32 $0xFFFFFFFF;
	p2 =	slt.u32 s8, $0xFFFFF086  }
0x1c: {  	p1 =	slt.u32 s9, $0xF7A;
	s5 =	simm.s32 @!p2 $0x0  }
0x1d: {  	s5 =	simm.s32 @p1 $0x1;
	p0 =	seq.s32 s7, s2  }
0x1e: {  	s7 =	smul.u32 @!p0 $0xF7A, s2;
	p2 =	seq.s32 @!p0 s5, $0x0  }
0x1f: {  	s9 =	smul.u32 $0xF7A, s1;
	s8 =	simm.s32 @!p0 $0x1BF5;
	p2 =	por !p2, p0  }
0x20: {  	[sflag:s8] =	ssyncset.s32 @!p0 $0xFFFFF086;
	s6 =	sadd.s32 @!p0 s3, s7;
	s7 =	simm.s32 @!p0 $0x108  }
0x21: {  	s3 =	sadd.s32 s3, s9;
	s6 =	sadd.s32 @!p0 $0x88, s6;
	s7 =	simm.s32 @p2 $0x1082  }
0x22: {  	[simem:s7], [sflag:s8] =	dma.local @!p0 [hbm:s6], $0xF7A  }
0x23: {  	s9 =	sor.u32 $0xD0000000, s2;
	s6 =	simm.s32 $0x108;
	_ =	swait.ge @!p0 [sflag:s8], $0x0  }
0x24: {  	s3 =	sadd.s32 $0x88, s3;
	s6 =	simm.s32 @!p1 $0x1082;
	[sflag:s4] =	ssyncset.s32 $0xFFFFF086  }
0x25: {  	[simem:s6], [sflag:s4] =	dma.local [hbm:s3], $0xF7A  }
0x26: {  	[smem:$0x3FA0] =	sst s1;
	(tag) =	ssettag s2;
	_ =	strace s9  }
0x27: {  	s1 =	sld [smem:$0x3FB0]  }
0x28: {  	s2 =	sld [smem:$0x3FB1]  }
0x29: {  	s4 =	sld [smem:$0x3FB3]  }
0x2a: {  	p0 =	seq.s32 s5, $0x0;
	s5 =	sld [smem:$0x3FB4]  }
0x2b: {  	s6 =	sld [smem:$0x3FB5]  }
0x2c: {  	s7 =	sld [smem:$0x3FB6]  }
0x2d: {  	s3 =	simm.s32 $0x108;
	s8 =	sld [smem:$0x3FB7]  }
0x2e: {  	s3 =	simm.s32 @!p0 $0x1082;
	s9 =	sld [smem:$0x3FB8]  }
0x2f: {  	lr =	sadd.s32 s0, s3;
	s0 =	sld [smem:$0x3FAF]  }
0x30: {  	s3 =	sld [smem:$0x3FB2]  }
0x31: {  	[smem:$0x3FBB] =	sst s10  }
0x32: {  	s10 =	sld [smem:$0x3FB9];
	_ =	sdelay $0x3  }
0x33: {  	p0 =	seq.s32 s10, $0x1;
	s10 =	sld [smem:$0x3FBB];
	_ =	sdelay $0x3  }
0x34: {  	[smem:$0x3FBB] =	sst s10  }
0x35: {  	s10 =	sld [smem:$0x3FBA];
	_ =	sdelay $0x3  }
0x36: {  	p1 =	seq.s32 s10, $0x1;
	s10 =	sld [smem:$0x3FBB];
	_ =	sdelay $0x3  }
0x37: {  	[smem:$0x3FBB] =	sst s10  }
0x38: {  	s10 =	sld [smem:$0x3FBC]  }
0x39: {  	_ = 	snop;
	(pc) =	sbr.ind lr, $3  }
0x3a: {  	_ = 	snop  }
0x3b: {  	_ = 	snop  }
0x3c: {  	p2 =	seq.s32 s10, $0x1;
	s10 =	sld [smem:$0x3FBB]  }
0x3d: {  	_ =	shalt  }
0x3e: {  	_ =	shalt  }
0x3f: {  	_ =	shalt  }
0x40: {  	_ =	shalt  }
0x41: {  	_ =	shalt  }
0x42: {  	_ =	shalt  }
0x43: {  	_ =	shalt  }
0x44: {  	_ =	shalt  }
0x45: {  	_ =	shalt  }
0x46: {  	_ =	shalt  }
0x47: {  	_ =	shalt  }
0x48: {  	_ =	shalt  }
0x49: {  	_ =	shalt  }
0x4a: {  	_ =	shalt  }
0x4b: {  	_ =	shalt  }
0x4c: {  	_ =	shalt  }
0x4d: {  	_ =	shalt  }
0x4e: {  	_ =	shalt  }
0x4f: {  	_ =	shalt  }
0x50: {  	_ =	shalt  }
0x51: {  	_ =	shalt  }
0x52: {  	_ =	shalt  }
0x53: {  	_ =	shalt  }
0x54: {  	_ =	shalt  }
0x55: {  	_ =	shalt  }
0x56: {  	_ =	shalt  }
0x57: {  	_ =	shalt  }
0x58: {  	_ =	shalt  }
0x59: {  	_ =	shalt  }
0x5a: {  	_ =	shalt  }
0x5b: {  	_ =	shalt  }
0x5c: {  	_ =	shalt  }
0x5d: {  	_ =	shalt  }
0x5e: {  	_ =	shalt  }
0x5f: {  	_ =	shalt  }
0x60: {  	_ =	shalt  }
0x61: {  	_ =	shalt  }
0x62: {  	_ =	shalt  }
0x63: {  	_ =	shalt  }
0x64: {  	_ =	shalt  }
0x65: {  	_ =	shalt  }
0x66: {  	_ =	shalt  }
0x67: {  	_ =	shalt  }
0x68: {  	_ =	shalt  }
0x69: {  	_ =	shalt  }
0x6a: {  	_ =	shalt  }
0x6b: {  	_ =	shalt  }
0x6c: {  	_ =	shalt  }
0x6d: {  	_ =	shalt  }
0x6e: {  	_ =	shalt  }
0x6f: {  	_ =	shalt  }
0x70: {  	_ =	shalt  }
0x71: {  	_ =	shalt  }
0x72: {  	_ =	shalt  }
0x73: {  	_ =	shalt  }
0x74: {  	_ =	shalt  }
0x75: {  	_ =	shalt  }
0x76: {  	_ =	shalt  }
0x77: {  	_ =	shalt  }
0x78: {  	_ =	shalt  }
0x79: {  	_ =	shalt  }
0x7a: {  	_ =	shalt  }
0x7b: {  	_ =	shalt  }
0x7c: {  	_ =	shalt  }
0x7d: {  	_ =	shalt  }
0x7e: {  	_ =	shalt  }
0x7f: {  	_ =	shalt  }
0x80: {  	_ =	shalt  }
0x81: {  	_ =	shalt  }
0x82: {  	_ =	shalt  }
0x83: {  	_ =	shalt  }
0x84: {  	_ =	shalt  }
0x85: {  	_ =	shalt  }
0x86: {  	_ =	shalt  }
0x87: {  	_ =	shalt  }
.Lfunc_end0:
.L_simem_size_0:
called_computation_lowered:
.L_overlay_start_0:
0x88: {  	s2 =	sld [smem:$0x3FD9]  }
0x89: {  	s3 =	sld [smem:$0x3FFE];
	_ =	sdelay $0x1  }
0x8a: {  	s1 =	srdreg.scid  }
0x8b: {  	s0 =	sand.u32 $0x1, s1  }
0x8c: {  	s14 =	sshll.u32 s0, $0xA;
	s2 =	sadd.s32 s3, s2  }
0x8d: {  	s2 =	sadd.s32 s2, s14  }
0x8e: {  	[smem:$0x3FC7] =	sst s2  }
0x8f: {  	_ = 	snop  }
0x90: {  	s2 =	sld [smem:$0x3FD0];
	_ =	sdelay $0x2  }
0x91: {  	s15 =	simm.s32 $0xA;
	s4 =	simm.s32 $0x10  }
0x92: {  	[smem:s4], [sflag:s15] =	dma.local [hbm:s2], $0x1  }
0x93: {  	_ =	swait.eq [sflag:s15], $0x1  }
0x94: {  	[sflag:s15] =	ssyncset.done $0x0  }
0x95: {  	[sflag:s15] =	ssyncadd.s32 $0xFFFFFFFF  }
0x96: {  	s16 =	sld [smem:$0x11];
	(tm) =	ssettm $0x1  }
0x97: {  	s17 =	sld [smem:$0x3FFB];
	_ =	sdelay $0x3  }
0x98: {  	_ =	strace s17  }
0x99: {  	s3 =	sld [smem:$0x3FFC];
	_ =	sdelay $0x3  }
0x9a: {  	_ =	strace s3  }
0x9b: {  	s3 =	sld [smem:$0x3FFD];
	_ =	sdelay $0x3  }
0x9c: {  	_ =	strace s3  }
0x9d: {  	_ =	strace $0x8FFFFFFF  }
0x9e: {  	s18 =	sld [smem:$0x3FDB];
	_ =	sdelay $0x1  }
0x9f: {  	s19 =	simm.s32 $_scs_section_size  }
0xa0: {  	s5 =	simm.s32 $_size__tile_overlayer_lowered;
	s6 =	simm.s32 $_tile_overlayer_lowered  }
0xa1: {  	s22 =	simm.s32 $0x1BFF;
	s21 =	sshll.u32 s6, $0x1;
	s3 =	sadd.s32 s19, s18  }
0xa2: {  	s7 =	simm.s32 $0x0;
	s20 =	sshll.u32 s5, $0x1;
	s5 =	sadd.s32 s21, s3  }
0xa3: {  	[timem:s7], [sflag:s22] =	dma.local [hbm:s5], s20  }
0xa4: {  	_ =	swait.ge [sflag:s22], s20  }
0xa5: {  	s4 =	ssub.s32 $0x0, s20;
	[sflag:s22] =	ssyncset.done $0x0  }
0xa6: {  	[sflag:s22] =	ssyncadd.s32 s4;
	_ =	sdelay $0x1  }
0xa7: {  	s23 =	simm.s32 $0x1B8B  }
0xa8: {  	_ =	swait.ge [sflag:s23], $0x1  }
0xa9: {  	[sflag:s23] =	ssyncset.done $0x0  }
0xaa: {  	s25 =	simm.s32 $0x1B8E;
	s24 =	sld [smem:$0x3FFE];
	[sflag:s23] =	ssyncadd.s32 $0xFFFFFFFF  }
0xab: {  	s26 =	simm.s32 $execute0_lowered;
	[smem:$0x3FD2] =	sst s25  }
0xac: {  	s5 =	sshll.u32 s26, $0x1;
	_ =	strace $0x80000046;
	[dreg:$0x1] =	wrdreg $0xFFFFFFFF  }
0xad: {  	s28 =	simm.s32 $_size_execute0_lowered;
	s3 =	sadd.s32 s3, s5;
	[dreg:$0x0] =	wrdreg $0x0  }
0xae: {  	s5 =	sshll.u32 s28, $0x1;
	[dreg:$0x2] =	wrdreg s3  }
0xaf: {  	[dreg:$0x3] =	wrdreg s5  }
0xb0: {  	[dreg:$0x4] =	wrdreg $0xC0  }
0xb1: {  	_ =	task [dreg:s7], $0x5FFFF  }
0xb2: {  	[dreg:$0x1] =	wrdreg $0xFFFFFFFF  }
0xb3: {  	[dreg:$0x0] =	wrdreg $0x60  }
0xb4: {  	[dreg:$0x2] =	wrdreg s24  }
0xb5: {  	[dreg:$0x3] =	wrdreg s16  }
0xb6: {  	[dreg:$0x4] =	wrdreg $0x9  }
0xb7: {  	_ =	task.clear_ibuf [dreg:s7], $0x5FFFF;
	_ =	strace $0x90000046  }
0xb8: {  	s29 =	simm.s32 $0x9;
	_ =	strace $0x80000048  }
0xb9: {  	_ =	swait.ge [sflag:s29], $0x1  }
0xba: {  	[sflag:s29] =	ssyncadd.s32 $0xFFFFFFFF  }
0xbb: {  	_ =	strace $0x90000048  }
0xbc: {  	_ =	sfence  }
0xbd: {  	s30 =	sld [smem:$0x0];
	_ =	sdelay $0x2  }
0xbe: {  	s31 =	sshll.u32 s1, $0xD;
	s1 =	sshrl.u32 s1, $0x2  }
0xbf: {  	s3 =	sand.u32 $0x4000, s31;
	s1 =	sadd.s32 s1, s30  }
0xc0: {  	s0 =	sor.u32 s3, s0;
	s1 =	sshll.u32 s1, $0x11  }
0xc1: {  	s0 =	sor.u32 s1, s0  }
0xc2: {  	s0 =	sadd.s32 $0x8F2B, s0  }
0xc3: {  	[sflag:s0] =	ssyncadd.remote.s32 $0x1  }
0xc4: {  	_ =	sfence.sel $0xFFFF  }
0xc5: {  	[dreg:$0x0] =	wrdreg $0xFFFFFFFF;
	(pc) =	sbr.abs _section_cstart, $3  }
0xc6: {  	[dreg:$0x1] =	wrdreg $0xFFFFFFFF  }
0xc7: {  	_ =	task.clear_ibuf [dreg:s7], $0x2FFFF;
	_ =	strace $0x9FFFFFFF  }
0xc8: {  	(tm) =	ssettm $0x7FFFFFFF  }
0xc9: {  	_ =	shalt  }
tec
execute0_lowered:
.L_overlay_start_1:
0x0: {  	(tag) =	ssettag $0x1  }
0x1: {  	s3 =	rddreg [dreg:$0x0]  }
0x2: {  	s6 =	rddreg [dreg:$0x1]  }
0x3: {  	s0 =	rddreg [dreg:$0x2]  }
0x4: {  	s2 =	simm.s32 $0x0;
	s4 =	srdreg.scid;
	s1 =	stileid.u32  }
0x5: {  	s12 =	simm.s32 $0x0;
	s4 =	sand.u32 $0x1, s4;
	s5 =	sshll.u32 s1, $0x9  }
0x6: {  	s7 =	sshrl.u32 s1, $0x1;
	[smem:$0x7FF] =	sst s2;
	s11 =	sadd.s32 $0x800, s3  }
0x7: {  	s8 =	sshll.u32 s4, $0x8;
	s5 =	sand.u32 $0x200, s5;
	s9 =	smul.u32 $0x6000, s7  }
0x8: {  	s4 =	ssub.s32 $0x2, s4;
	_ =	strace $0x80000047;
	s5 =	sor.u32 s8, s5  }
0x9: {  	s28 =	sshll.u32 s7, $0xD;
	s25 =	sshrl.u32 s4, $0x1;
	s10 =	sor.u32 s9, s5  }
0xa: {  	s8 =	ssub.s32 s4, s25;
	s29 =	sor.u32 $0x80, s5;
	s5 =	sor.u32 s28, s5  }
0xb: {  	s26 =	sshrl.u32 s10, $0x3;
	s9 =	sor.u32 s9, s29;
	s4 =	sor.u32 s28, s29  }
0xc: {  	s5 =	sshrl.u32 s5, $0x3;
	s7 =	smax.u32 s8, $0x1;
	s8 =	simm.s32 $0x80  }
0xd: {  	s10 =	simm.s32 $0x1;
	s3 =	sadd.s32 s11, s26;
	s30 =	sshrl.u32 s9, $0x3  }
0xe: {  	s31 =	sshrl.u32 s4, $0x3;
	s4 =	sadd.s32 s6, s5;
	s9 =	simm.s32 $0x400  }
0xf: {  	v0 =	vimm.s32 $0x0;
	v1 =	vimm.s32 $0x1;
	s5 =	sadd.s32 s11, s30;
	s6 =	sadd.s32 s6, s31;
	s11 =	simm.s32 $0xC00  }
.LBB2_1:
0x10: {  	[tilespmem:s2], [sflag:$0x1] =	stream.strided.gather [hbm4b:s3+s8], $0xC00, s9, s8, $0x38;
	[tilespmem:$0x1000] =	vst v63  }
0x11: {  	_ =	swait.ge [sflag:s10], $0xC00  }
0x12: {  	[sflag:s10] =	ssyncset.done $0x0  }
0x13: {  	s13 =	simm.s32 $0x0;
	[sflag:s10] =	ssyncadd.s32 $0xFFFFF400  }
.LBB2_2:
0x14: {  	p0 =	sne.s32 s13, $0xFC0  }
.Ltmp0:
0x15: {  	_ = 	snop;
	(pc) =	sbr.rel @p0 .LBB2_2-.Ltmp0, $3  }
0x16: {  	_ =	sdelay $0x1  }
0x17: {  	s14 =	sshra.s32 s13, $0x2  }
0x18: {  	s13 =	sadd.s32 $0x40, s13;
	[tilespmem:s14+$0xC00] =	vst v0  }
0x19: {  	s14 =	simm.s32 $0x0;
	s13 =	simm.s32 $0x40  }
.LBB2_4:
0x1a: {  	p0 =	sne.s32 s13, $0x2FC0;
	v2 =	vld [tilespmem:s14+$0x0];
	_ =	sdelay $0x3  }
.Ltmp1:
0x1b: {  	(pc) =	sbr.rel @p0 .LBB2_4-.Ltmp1, $2  }
0x1c: {  	_ =	sdelay $0x2  }
0x1d: {  	s14 =	sshra.s32 s13, $0x2;
	s13 =	sadd.s32 $0x40, s13;
	[tilespmem:v2+s11+$0x0] =	vst.idx.add.s32.msk $0xffff, v1  }
0x1e: {  	v2 =	vld [tilespmem:s14+$0x0];
	_ =	sdelay $0x7  }
0x1f: {  	[tilespmem:v2+s11+$0x0] =	vst.idx.add.s32.msk $0xffff, v1  }
0x20: {  	[hbm4b:s4+s8] =	stream.strided.scatter [tilespmem:s11], [sflag:$0x1], $0x400, s9, s8, $0x38;
	[tilespmem:$0x1000] =	vst v63  }
0x21: {  	_ =	swait.ge [sflag:s10], $0x400  }
0x22: {  	[sflag:s10] =	ssyncset.done $0x0  }
0x23: {  	s13 =	simm.s32 $0x0;
	[sflag:s10] =	ssyncadd.s32 $0xFFFFFC00  }
0x24: {  	[tilespmem:s13], [sflag:$0x1] =	stream.strided.gather [hbm4b:s5+s8], $0xC00, s9, s8, $0x38;
	[tilespmem:$0x1000] =	vst v63  }
0x25: {  	_ =	swait.ge [sflag:s10], $0xC00  }
0x26: {  	[sflag:s10] =	ssyncset.done $0x0  }
0x27: {  	s14 =	simm.s32 $0x0;
	s13 =	simm.s32 $0x40;
	[sflag:s10] =	ssyncadd.s32 $0xFFFFF400  }
.LBB2_6:
0x28: {  	p0 =	sne.s32 s13, $0xFC0;
	[tilespmem:s14+$0xC00] =	vst v0;
	s14 =	smov.u32 s13;
	s13 =	sadd.s32 $0x40, s13  }
.Ltmp2:
0x29: {  	(pc) =	sbr.rel @p0 .LBB2_6-.Ltmp2, $2  }
0x2a: {  	_ =	sdelay $0x2  }
0x2b: {  	s14 =	sshra.s32 s14, $0x2  }
0x2c: {  	[tilespmem:s14+$0xC00] =	vst v0;
	s14 =	simm.s32 $0x0;
	s13 =	simm.s32 $0x40  }
.LBB2_8:
0x2d: {  	p0 =	sne.s32 s13, $0x2FC0;
	v2 =	vld [tilespmem:s14+$0x0];
	_ =	sdelay $0x3  }
.Ltmp3:
0x2e: {  	(pc) =	sbr.rel @p0 .LBB2_8-.Ltmp3, $2  }
0x2f: {  	_ =	sdelay $0x2  }
0x30: {  	s14 =	sshra.s32 s13, $0x2;
	s13 =	sadd.s32 $0x40, s13;
	[tilespmem:v2+s11+$0x0] =	vst.idx.add.s32.msk $0xffff, v1  }
0x31: {  	v2 =	vld [tilespmem:s14+$0x0];
	_ =	sdelay $0x5  }
0x32: {  	s12 =	sadd.s32 $0x1, s12  }
0x33: {  	p0 =	sne.s32 s12, s7  }
.Ltmp4:
0x34: {  	[tilespmem:v2+s11+$0x0] =	vst.idx.add.s32.msk $0xffff, v1;
	(pc) =	sbr.rel @p0 .LBB2_1-.Ltmp4, $4  }
0x35: {  	[hbm4b:s6+s8] =	stream.strided.scatter [tilespmem:s11], [sflag:$0x1], $0x400, s9, s8, $0x38;
	[tilespmem:$0x1000] =	vst v63  }
0x36: {  	_ =	swait.ge [sflag:s10], $0x400  }
0x37: {  	[sflag:s10] =	ssyncset.done $0x0  }
0x38: {  	[sflag:s10] =	ssyncadd.s32 $0xFFFFFC00  }
0x39: {  	_ =	sfence.sel $0x180000  }
0x3a: {  	[bflag:$0x0] =	sbarrier.arrive $0xFFFF  }
0x3b: {  	p0 =	sne.s32 s1, $0x0;
	_ =	strace $0x90000047  }
0x3c: {  	s0 =	sadd.s32 @!p0 $0x100000, s0;
	[bflag:$0x2] =	sbarrier.arrive $0xFFFF  }
0x3d: {  	[sflag:s0] =	ssyncadd.tile.s32 @!p0 $0x1;
	_ =	shalt  }
.Lfunc_end2:
_tile_overlayer_lowered:
.L_overlay_start_2:
0x3e: {  	(tag) =	ssettag $0x2  }
0x3f: {  	s0 =	rddreg [dreg:$0x0];
	s2 =	stileid.u32  }
0x40: {  	s1 =	rddreg [dreg:$0x1];
	p0 =	sne.s32 s2, $0x0  }
0x41: {  	s3 =	rddreg [dreg:$0x2];
	[bflag:$0x3] =	sbarrier.arrive $0xFFFF;
	s2 =	simm.s32 @!p0 $0x1C01  }
0x42: {  	[timem:s3], [sflag:s2] =	dma.local @!p0 [hbm:s0], s1  }
0x43: {  	s0 =	simm.s32 @!p0 $0x1  }
0x44: {  	_ =	swait.ge @!p0 [sflag:s0], s1  }
0x45: {  	s1 =	ssub.s32 @!p0 $0x0, s1;
	[sflag:s0] =	ssyncset.done @!p0 $0x0  }
0x46: {  	[sflag:s0] =	ssyncadd.s32 @!p0 s1  }
0x47: {  	[bflag:$0x3] =	sbarrier.arrive $0xFFFF  }
0x48: {  	_ =	shalt  }

</sc_bundles>
